<compile_context>
chip_gen: v7x
topology: tpu7x:2x2x1
jax: 0.10.2.dev20260603
libtpu: 0.0.44.dev20260713+nightly
codegen_flags: <defaults>
</compile_context>

<pallas_src>
import functools

import jax
import jax.numpy as jnp
from jax import lax
from jax.experimental import pallas as pl
from jax.experimental.pallas import tpu as pltpu
from jax.experimental.pallas import tpu_sc as plsc

B = 16384
C = 1000
ROWS = 2048
NB = B // ROWS

_INFO = plsc.get_sparse_core_info()
_NC, _NS, _L = _INFO.num_cores, _INFO.num_subcores, _INFO.num_lanes
_NW = _NC * _NS
_BPW = B // _NW
_GCHUNK = 128


def _sc_gather(lab_hbm, phi16_hbm, out_hbm, lab_v, idx_v, rows_v, sem):
    wid = lax.axis_index("s") * _NC + lax.axis_index("c")
    base = wid * _BPW
    pltpu.sync_copy(lab_hbm.at[pl.ds(base, _BPW)], lab_v)
    for g in range(_BPW // _L):
        i16 = base + g * _L + lax.iota(jnp.int32, _L)
        f = i16 * C + lab_v[pl.ds(g * _L, _L)]
        idx_v[pl.ds(g * _L, _L)] = lax.shift_right_logical(f, 4)
    for j in range(_BPW // _GCHUNK):
        pltpu.async_copy(
            phi16_hbm.at[idx_v.at[pl.ds(j * _GCHUNK, _GCHUNK)]],
            rows_v.at[pl.ds(j * _GCHUNK, _GCHUNK), :],
            sem,
        ).wait()
    pltpu.sync_copy(rows_v, out_hbm.at[pl.ds(base, _BPW), :])


_sc_gather_call = functools.partial(
    pl.kernel,
    mesh=plsc.VectorSubcoreMesh(core_axis_name="c", subcore_axis_name="s"),
    out_type=jax.ShapeDtypeStruct((B, _L), jnp.float32),
    scratch_types=[
        pltpu.VMEM((_BPW,), jnp.int32),
        pltpu.VMEM((_BPW,), jnp.int32),
        pltpu.VMEM((_BPW, _L), jnp.float32),
        pltpu.SemaphoreType.DMA,
    ],
    compiler_params=pltpu.CompilerParams(use_tc_tiling_on_sc=False),
)(_sc_gather)


def _k1_body(cos_ref, lab_ref, m0_ref, s0_ref, cl_ref):
    cos = cos_ref[...]
    lab = lab_ref[0, 0, :]
    col = lax.broadcasted_iota(jnp.int32, (ROWS, C), 1)
    mask = col == lab[:, None]
    m0 = jnp.max(cos, axis=1)
    cl = jnp.sum(jnp.where(mask, cos, 0.0), axis=1)
    s0 = jnp.sum(jnp.exp(cos - m0[:, None]), axis=1)
    m0_ref[0, 0, :] = m0
    s0_ref[0, 0, :] = s0
    cl_ref[0, 0, :] = cl


def _k2_body(m0_ref, s0_ref, cl_ref, lab_ref, rows_ref, out_ref):
    m0 = m0_ref[0, 0, :]
    s0 = s0_ref[0, 0, :]
    cl = cl_ref[0, 0, :]
    lab = lab_ref[0, 0, :]
    rows = rows_ref[...]
    i2 = pl.program_id(0) * ROWS + lax.broadcasted_iota(jnp.int32, (ROWS, _L), 0)
    lane = jnp.bitwise_and(i2 * C + lab[:, None], _L - 1)
    lane16 = lax.broadcasted_iota(jnp.int32, (ROWS, _L), 1)
    phil = jnp.sum(jnp.where(lane16 == lane, rows, 0.0), axis=1)
    m = jnp.maximum(m0, phil)
    s = s0 * jnp.exp(m0 - m) - jnp.exp(cl - m) + jnp.exp(phil - m)
    nll = m + jnp.log(s) - phil

    @pl.when(pl.program_id(0) == 0)
    def _():
        out_ref[...] = jnp.zeros((1, 1), jnp.float32)

    out_ref[...] += jnp.sum(nll).reshape(1, 1)


def kernel(cos_theta, phi_theta, labels):
    phi16 = phi_theta.reshape(B * C // _L, _L)
    rows = _sc_gather_call(labels, phi16)

    lab3 = labels.reshape(NB, 1, ROWS)
    stat_shape = jax.ShapeDtypeStruct((NB, 1, ROWS), jnp.float32)
    stat_spec = pl.BlockSpec((1, 1, ROWS), lambda i: (i, 0, 0))
    m0, s0, cl = pl.pallas_call(
        _k1_body,
        grid=(NB,),
        in_specs=[
            pl.BlockSpec((ROWS, C), lambda i: (i, 0)),
            pl.BlockSpec((1, 1, ROWS), lambda i: (i, 0, 0)),
        ],
        out_specs=[stat_spec, stat_spec, stat_spec],
        out_shape=[stat_shape, stat_shape, stat_shape],
    )(cos_theta, lab3)

    total = pl.pallas_call(
        _k2_body,
        grid=(NB,),
        in_specs=[
            stat_spec,
            stat_spec,
            stat_spec,
            pl.BlockSpec((1, 1, ROWS), lambda i: (i, 0, 0)),
            pl.BlockSpec((ROWS, _L), lambda i: (i, 0)),
        ],
        out_specs=pl.BlockSpec((1, 1), lambda i: (0, 0)),
        out_shape=jax.ShapeDtypeStruct((1, 1), jnp.float32),
    )(m0, s0, cl, lab3, rows)
    return total[0, 0] / B

# --- scband reference (transcript-rebuilt; emitter-appended) ---
"""Pipeline reference for scband-cus-angle-loss-50268297232713 (READ-ONLY COPY).

The authoritative reference and input builder live on the scoring server;
editing this copy changes nothing except your own understanding.
"""

import jax, jax.numpy as jnp
import numpy as np

B = 16384
C = 1000

def setup_inputs(seed: int = 0) -> dict:
    key = jax.random.key(seed)
    k1, k2, k3 = jax.random.split(key, 3)
    cos_theta = jax.random.normal(k1, (B, C), dtype=jnp.float32)
    phi_theta = jax.random.normal(k2, (B, C), dtype=jnp.float32)
    labels = jax.random.randint(k3, (B,), 0, C, dtype=jnp.int32)
    return {"cos_theta": cos_theta, "phi_theta": phi_theta, "labels": labels}

def reference(cos_theta, phi_theta, labels):
    # output = cos_theta everywhere except at the target class, where it is phi_theta
    # (the torch code does: out[idx] = out[idx] - cos[idx] + phi[idx])
    onehot = jax.nn.one_hot(labels, cos_theta.shape[1], dtype=cos_theta.dtype)
    output = cos_theta * (1.0 - onehot) + phi_theta * onehot
    # F.cross_entropy with mean reduction
    logp = jax.nn.log_softmax(output, axis=-1)
    nll = -jnp.take_along_axis(logp, labels[:, None].astype(jnp.int32), axis=1).squeeze(1)
    return jnp.mean(nll)

if __name__ == "__main__":
    import jax
    _d = setup_inputs()
    print(jax.jit(kernel)(*tuple(_d.values())))

</pallas_src>

<mosaic_0001>
#map = affine_map<(d0, d1) -> (0)>
#map1 = affine_map<(d0, d1) -> (0, 0)>
module attributes {stable_mosaic.version = 14 : i64} {
  func.func @_sc_gather(%arg0: i32, %arg1: i32, %arg2: memref<16384xi32, #tpu.memory_space<hbm>>, %arg3: memref<1024000x16xf32, #tpu.memory_space<hbm>>, %arg4: memref<16384x16xf32, #tpu.memory_space<hbm>>, %arg5: memref<512xi32, #tpu.memory_space<vmem>>, %arg6: memref<512xi32, #tpu.memory_space<vmem>>, %arg7: memref<512x16xf32, #tpu.memory_space<vmem>>, %arg8: memref<!tpu.dma_semaphore, #tpu.memory_space<semaphore_mem>>) attributes {dimension_semantics = [#tpu.dimension_semantics<core_parallel>, #tpu.dimension_semantics<subcore_parallel>], iteration_bounds = array<i64: 2, 16>, scalar_prefetch = 0 : i64, scratch_operands = 4 : i64, tpu.core_type = #tpu.core_type<sc_vector_subcore>, window_params = [{transform_indices = #map}, {transform_indices = #map1}, {transform_indices = #map1}]} {
    %mul3A = arith.constant 2 : i32
    %mul3A_0 = arith.muli %arg1, %mul3A : i32
    %add3A = arith.addi %mul3A_0, %arg0 : i32
    %mul3A_1 = arith.constant 512 : i32
    %mul3A_2 = arith.muli %add3A, %mul3A_1 : i32
    "tpu.region"() ({
      %run_scoped3A = tpu.sem_alloc : memref<!tpu.dma_semaphore, #tpu.memory_space<semaphore_mem>>
      %dma_start3A_669 = tpu.memref_slice %arg2[%mul3A_2] : memref<16384xi32, #tpu.memory_space<hbm>> -> memref<512xi32, #tpu.memory_space<hbm>>
      %dma_start3A_670 = tpu.memref_slice %arg2[%mul3A_2] : memref<16384xi32, #tpu.memory_space<hbm>> -> memref<512xi32, #tpu.memory_space<hbm>>
      tpu.enqueue_dma source(%dma_start3A_670 : memref<512xi32, #tpu.memory_space<hbm>>) target(%arg5 : memref<512xi32, #tpu.memory_space<vmem>>) target_semaphore(%run_scoped3A : memref<!tpu.dma_semaphore, #tpu.memory_space<semaphore_mem>>)
      %dma_wait3A_671 = tpu.memref_slice %arg2[%mul3A_2] : memref<16384xi32, #tpu.memory_space<hbm>> -> memref<512xi32, #tpu.memory_space<hbm>>
      %dma_wait3A_672 = tpu.memref_slice %arg2[%mul3A_2] : memref<16384xi32, #tpu.memory_space<hbm>> -> memref<512xi32, #tpu.memory_space<hbm>>
      tpu.wait_dma2 semaphore(%run_scoped3A : memref<!tpu.dma_semaphore, #tpu.memory_space<semaphore_mem>>) src(%dma_wait3A_672 : memref<512xi32, #tpu.memory_space<hbm>>) dst(%arg5 : memref<512xi32, #tpu.memory_space<vmem>>)
      tpu.yield
    }) : () -> ()
    %add3A_3 = arith.constant 0 : i32
    %add3A_4 = arith.addi %mul3A_2, %add3A_3 : i32
    %iota3A = tpu.iota {dimensions = array<i32: 0>} : vector<16xi32>
    %add3A_5 = vector.broadcast %add3A_4 : i32 to vector<16xi32>
    %add3A_6 = arith.addi %add3A_5, %iota3A : vector<16xi32>
    %mul3A_7 = arith.constant 1000 : i32
    %mul3A_8 = vector.broadcast %mul3A_7 : i32 to vector<16xi32>
    %mul3A_9 = arith.muli %add3A_6, %mul3A_8 : vector<16xi32>
    %get3A = arith.constant 0 : index
    %get3A_10 = tpu.vector_load %arg5[%get3A] {strides = array<i32>} : memref<512xi32, #tpu.memory_space<vmem>>, vector<16xi32>,
    %get3A_11 = vector.shape_cast %get3A_10 : vector<16xi32> to vector<16xi32>
    %add3A_12 = arith.addi %mul3A_9, %get3A_11 : vector<16xi32>
    %shift_right_logical3A = arith.constant 4 : i32
    %shift_right_logical3A_13 = vector.broadcast %shift_right_logical3A : i32 to vector<16xi32>
    %shift_right_logical3A_14 = arith.shrui %add3A_12, %shift_right_logical3A_13 : vector<16xi32>
    %swap3A = arith.constant 0 : index
    %swap3A_15 = tpu.vector_load %arg6[%swap3A] {strides = array<i32>} : memref<512xi32, #tpu.memory_space<vmem>>, vector<16xi32>,
    %swap3A_16 = vector.shape_cast %swap3A_15 : vector<16xi32> to vector<16xi32>
    %swap3A_17 = vector.shape_cast %shift_right_logical3A_14 : vector<16xi32> to vector<16xi32>
    tpu.vector_store %arg6[%swap3A], %swap3A_17 {strides = array<i32>} : memref<512xi32, #tpu.memory_space<vmem>>, vector<16xi32>,
    %add3A_18 = arith.constant 16 : i32
    %add3A_19 = arith.addi %mul3A_2, %add3A_18 : i32
    %iota3A_20 = tpu.iota {dimensions = array<i32: 0>} : vector<16xi32>
    %add3A_21 = vector.broadcast %add3A_19 : i32 to vector<16xi32>
    %add3A_22 = arith.addi %add3A_21, %iota3A_20 : vector<16xi32>
    %mul3A_23 = arith.constant 1000 : i32
    %mul3A_24 = vector.broadcast %mul3A_23 : i32 to vector<16xi32>
    %mul3A_25 = arith.muli %add3A_22, %mul3A_24 : vector<16xi32>
    %get3A_26 = arith.constant 16 : index
    %get3A_27 = tpu.vector_load %arg5[%get3A_26] {strides = array<i32>} : memref<512xi32, #tpu.memory_space<vmem>>, vector<16xi32>,
    %get3A_28 = vector.shape_cast %get3A_27 : vector<16xi32> to vector<16xi32>
    %add3A_29 = arith.addi %mul3A_25, %get3A_28 : vector<16xi32>
    %shift_right_logical3A_30 = arith.constant 4 : i32
    %shift_right_logical3A_31 = vector.broadcast %shift_right_logical3A_30 : i32 to vector<16xi32>
    %shift_right_logical3A_32 = arith.shrui %add3A_29, %shift_right_logical3A_31 : vector<16xi32>
    %swap3A_33 = arith.constant 16 : index
    %swap3A_34 = tpu.vector_load %arg6[%swap3A_33] {strides = array<i32>} : memref<512xi32, #tpu.memory_space<vmem>>, vector<16xi32>,
    %swap3A_35 = vector.shape_cast %swap3A_34 : vector<16xi32> to vector<16xi32>
    %swap3A_36 = vector.shape_cast %shift_right_logical3A_32 : vector<16xi32> to vector<16xi32>
    tpu.vector_store %arg6[%swap3A_33], %swap3A_36 {strides = array<i32>} : memref<512xi32, #tpu.memory_space<vmem>>, vector<16xi32>,
    %add3A_37 = arith.constant 32 : i32
    %add3A_38 = arith.addi %mul3A_2, %add3A_37 : i32
    %iota3A_39 = tpu.iota {dimensions = array<i32: 0>} : vector<16xi32>
    %add3A_40 = vector.broadcast %add3A_38 : i32 to vector<16xi32>
    %add3A_41 = arith.addi %add3A_40, %iota3A_39 : vector<16xi32>
    %mul3A_42 = arith.constant 1000 : i32
    %mul3A_43 = vector.broadcast %mul3A_42 : i32 to vector<16xi32>
    %mul3A_44 = arith.muli %add3A_41, %mul3A_43 : vector<16xi32>
    %get3A_45 = arith.constant 32 : index
    %get3A_46 = tpu.vector_load %arg5[%get3A_45] {strides = array<i32>} : memref<512xi32, #tpu.memory_space<vmem>>, vector<16xi32>,
    %get3A_47 = vector.shape_cast %get3A_46 : vector<16xi32> to vector<16xi32>
    %add3A_48 = arith.addi %mul3A_44, %get3A_47 : vector<16xi32>
    %shift_right_logical3A_49 = arith.constant 4 : i32
    %shift_right_logical3A_50 = vector.broadcast %shift_right_logical3A_49 : i32 to vector<16xi32>
    %shift_right_logical3A_51 = arith.shrui %add3A_48, %shift_right_logical3A_50 : vector<16xi32>
    %swap3A_52 = arith.constant 32 : index
    %swap3A_53 = tpu.vector_load %arg6[%swap3A_52] {strides = array<i32>} : memref<512xi32, #tpu.memory_space<vmem>>, vector<16xi32>,
    %swap3A_54 = vector.shape_cast %swap3A_53 : vector<16xi32> to vector<16xi32>
    %swap3A_55 = vector.shape_cast %shift_right_logical3A_51 : vector<16xi32> to vector<16xi32>
    tpu.vector_store %arg6[%swap3A_52], %swap3A_55 {strides = array<i32>} : memref<512xi32, #tpu.memory_space<vmem>>, vector<16xi32>,
    %add3A_56 = arith.constant 48 : i32
    %add3A_57 = arith.addi %mul3A_2, %add3A_56 : i32
    %iota3A_58 = tpu.iota {dimensions = array<i32: 0>} : vector<16xi32>
    %add3A_59 = vector.broadcast %add3A_57 : i32 to vector<16xi32>
    %add3A_60 = arith.addi %add3A_59, %iota3A_58 : vector<16xi32>
    %mul3A_61 = arith.constant 1000 : i32
    %mul3A_62 = vector.broadcast %mul3A_61 : i32 to vector<16xi32>
    %mul3A_63 = arith.muli %add3A_60, %mul3A_62 : vector<16xi32>
    %get3A_64 = arith.constant 48 : index
    %get3A_65 = tpu.vector_load %arg5[%get3A_64] {strides = array<i32>} : memref<512xi32, #tpu.memory_space<vmem>>, vector<16xi32>,
    %get3A_66 = vector.shape_cast %get3A_65 : vector<16xi32> to vector<16xi32>
    %add3A_67 = arith.addi %mul3A_63, %get3A_66 : vector<16xi32>
    %shift_right_logical3A_68 = arith.constant 4 : i32
    %shift_right_logical3A_69 = vector.broadcast %shift_right_logical3A_68 : i32 to vector<16xi32>
    %shift_right_logical3A_70 = arith.shrui %add3A_67, %shift_right_logical3A_69 : vector<16xi32>
    %swap3A_71 = arith.constant 48 : index
    %swap3A_72 = tpu.vector_load %arg6[%swap3A_71] {strides = array<i32>} : memref<512xi32, #tpu.memory_space<vmem>>, vector<16xi32>,
    %swap3A_73 = vector.shape_cast %swap3A_72 : vector<16xi32> to vector<16xi32>
    %swap3A_74 = vector.shape_cast %shift_right_logical3A_70 : vector<16xi32> to vector<16xi32>
    tpu.vector_store %arg6[%swap3A_71], %swap3A_74 {strides = array<i32>} : memref<512xi32, #tpu.memory_space<vmem>>, vector<16xi32>,
    %add3A_75 = arith.constant 64 : i32
    %add3A_76 = arith.addi %mul3A_2, %add3A_75 : i32
    %iota3A_77 = tpu.iota {dimensions = array<i32: 0>} : vector<16xi32>
    %add3A_78 = vector.broadcast %add3A_76 : i32 to vector<16xi32>
    %add3A_79 = arith.addi %add3A_78, %iota3A_77 : vector<16xi32>
    %mul3A_80 = arith.constant 1000 : i32
    %mul3A_81 = vector.broadcast %mul3A_80 : i32 to vector<16xi32>
    %mul3A_82 = arith.muli %add3A_79, %mul3A_81 : vector<16xi32>
    %get3A_83 = arith.constant 64 : index
    %get3A_84 = tpu.vector_load %arg5[%get3A_83] {strides = array<i32>} : memref<512xi32, #tpu.memory_space<vmem>>, vector<16xi32>,
    %get3A_85 = vector.shape_cast %get3A_84 : vector<16xi32> to vector<16xi32>
    %add3A_86 = arith.addi %mul3A_82, %get3A_85 : vector<16xi32>
    %shift_right_logical3A_87 = arith.constant 4 : i32
    %shift_right_logical3A_88 = vector.broadcast %shift_right_logical3A_87 : i32 to vector<16xi32>
    %shift_right_logical3A_89 = arith.shrui %add3A_86, %shift_right_logical3A_88 : vector<16xi32>
    %swap3A_90 = arith.constant 64 : index
    %swap3A_91 = tpu.vector_load %arg6[%swap3A_90] {strides = array<i32>} : memref<512xi32, #tpu.memory_space<vmem>>, vector<16xi32>,
    %swap3A_92 = vector.shape_cast %swap3A_91 : vector<16xi32> to vector<16xi32>
    %swap3A_93 = vector.shape_cast %shift_right_logical3A_89 : vector<16xi32> to vector<16xi32>
    tpu.vector_store %arg6[%swap3A_90], %swap3A_93 {strides = array<i32>} : memref<512xi32, #tpu.memory_space<vmem>>, vector<16xi32>,
    %add3A_94 = arith.constant 80 : i32
    %add3A_95 = arith.addi %mul3A_2, %add3A_94 : i32
    %iota3A_96 = tpu.iota {dimensions = array<i32: 0>} : vector<16xi32>
    %add3A_97 = vector.broadcast %add3A_95 : i32 to vector<16xi32>
    %add3A_98 = arith.addi %add3A_97, %iota3A_96 : vector<16xi32>
    %mul3A_99 = arith.constant 1000 : i32
    %mul3A_100 = vector.broadcast %mul3A_99 : i32 to vector<16xi32>
    %mul3A_101 = arith.muli %add3A_98, %mul3A_100 : vector<16xi32>
    %get3A_102 = arith.constant 80 : index
    %get3A_103 = tpu.vector_load %arg5[%get3A_102] {strides = array<i32>} : memref<512xi32, #tpu.memory_space<vmem>>, vector<16xi32>,
    %get3A_104 = vector.shape_cast %get3A_103 : vector<16xi32> to vector<16xi32>
    %add3A_105 = arith.addi %mul3A_101, %get3A_104 : vector<16xi32>
    %shift_right_logical3A_106 = arith.constant 4 : i32
    %shift_right_logical3A_107 = vector.broadcast %shift_right_logical3A_106 : i32 to vector<16xi32>
    %shift_right_logical3A_108 = arith.shrui %add3A_105, %shift_right_logical3A_107 : vector<16xi32>
    %swap3A_109 = arith.constant 80 : index
    %swap3A_110 = tpu.vector_load %arg6[%swap3A_109] {strides = array<i32>} : memref<512xi32, #tpu.memory_space<vmem>>, vector<16xi32>,
    %swap3A_111 = vector.shape_cast %swap3A_110 : vector<16xi32> to vector<16xi32>
    %swap3A_112 = vector.shape_cast %shift_right_logical3A_108 : vector<16xi32> to vector<16xi32>
    tpu.vector_store %arg6[%swap3A_109], %swap3A_112 {strides = array<i32>} : memref<512xi32, #tpu.memory_space<vmem>>, vector<16xi32>,
    %add3A_113 = arith.constant 96 : i32
    %add3A_114 = arith.addi %mul3A_2, %add3A_113 : i32
    %iota3A_115 = tpu.iota {dimensions = array<i32: 0>} : vector<16xi32>
    %add3A_116 = vector.broadcast %add3A_114 : i32 to vector<16xi32>
    %add3A_117 = arith.addi %add3A_116, %iota3A_115 : vector<16xi32>
    %mul3A_118 = arith.constant 1000 : i32
    %mul3A_119 = vector.broadcast %mul3A_118 : i32 to vector<16xi32>
    %mul3A_120 = arith.muli %add3A_117, %mul3A_119 : vector<16xi32>
    %get3A_121 = arith.constant 96 : index
    %get3A_122 = tpu.vector_load %arg5[%get3A_121] {strides = array<i32>} : memref<512xi32, #tpu.memory_space<vmem>>, vector<16xi32>,
    %get3A_123 = vector.shape_cast %get3A_122 : vector<16xi32> to vector<16xi32>
    %add3A_124 = arith.addi %mul3A_120, %get3A_123 : vector<16xi32>
    %shift_right_logical3A_125 = arith.constant 4 : i32
    %shift_right_logical3A_126 = vector.broadcast %shift_right_logical3A_125 : i32 to vector<16xi32>
    %shift_right_logical3A_127 = arith.shrui %add3A_124, %shift_right_logical3A_126 : vector<16xi32>
    %swap3A_128 = arith.constant 96 : index
    %swap3A_129 = tpu.vector_load %arg6[%swap3A_128] {strides = array<i32>} : memref<512xi32, #tpu.memory_space<vmem>>, vector<16xi32>,
    %swap3A_130 = vector.shape_cast %swap3A_129 : vector<16xi32> to vector<16xi32>
    %swap3A_131 = vector.shape_cast %shift_right_logical3A_127 : vector<16xi32> to vector<16xi32>
    tpu.vector_store %arg6[%swap3A_128], %swap3A_131 {strides = array<i32>} : memref<512xi32, #tpu.memory_space<vmem>>, vector<16xi32>,
    %add3A_132 = arith.constant 112 : i32
    %add3A_133 = arith.addi %mul3A_2, %add3A_132 : i32
    %iota3A_134 = tpu.iota {dimensions = array<i32: 0>} : vector<16xi32>
    %add3A_135 = vector.broadcast %add3A_133 : i32 to vector<16xi32>
    %add3A_136 = arith.addi %add3A_135, %iota3A_134 : vector<16xi32>
    %mul3A_137 = arith.constant 1000 : i32
    %mul3A_138 = vector.broadcast %mul3A_137 : i32 to vector<16xi32>
    %mul3A_139 = arith.muli %add3A_136, %mul3A_138 : vector<16xi32>
    %get3A_140 = arith.constant 112 : index
    %get3A_141 = tpu.vector_load %arg5[%get3A_140] {strides = array<i32>} : memref<512xi32, #tpu.memory_space<vmem>>, vector<16xi32>,
    %get3A_142 = vector.shape_cast %get3A_141 : vector<16xi32> to vector<16xi32>
    %add3A_143 = arith.addi %mul3A_139, %get3A_142 : vector<16xi32>
    %shift_right_logical3A_144 = arith.constant 4 : i32
    %shift_right_logical3A_145 = vector.broadcast %shift_right_logical3A_144 : i32 to vector<16xi32>
    %shift_right_logical3A_146 = arith.shrui %add3A_143, %shift_right_logical3A_145 : vector<16xi32>
    %swap3A_147 = arith.constant 112 : index
    %swap3A_148 = tpu.vector_load %arg6[%swap3A_147] {strides = array<i32>} : memref<512xi32, #tpu.memory_space<vmem>>, vector<16xi32>,
    %swap3A_149 = vector.shape_cast %swap3A_148 : vector<16xi32> to vector<16xi32>
    %swap3A_150 = vector.shape_cast %shift_right_logical3A_146 : vector<16xi32> to vector<16xi32>
    tpu.vector_store %arg6[%swap3A_147], %swap3A_150 {strides = array<i32>} : memref<512xi32, #tpu.memory_space<vmem>>, vector<16xi32>,
    %add3A_151 = arith.constant 128 : i32
    %add3A_152 = arith.addi %mul3A_2, %add3A_151 : i32
    %iota3A_153 = tpu.iota {dimensions = array<i32: 0>} : vector<16xi32>
    %add3A_154 = vector.broadcast %add3A_152 : i32 to vector<16xi32>
    %add3A_155 = arith.addi %add3A_154, %iota3A_153 : vector<16xi32>
    %mul3A_156 = arith.constant 1000 : i32
    %mul3A_157 = vector.broadcast %mul3A_156 : i32 to vector<16xi32>
    %mul3A_158 = arith.muli %add3A_155, %mul3A_157 : vector<16xi32>
    %get3A_159 = arith.constant 128 : index
    %get3A_160 = tpu.vector_load %arg5[%get3A_159] {strides = array<i32>} : memref<512xi32, #tpu.memory_space<vmem>>, vector<16xi32>,
    %get3A_161 = vector.shape_cast %get3A_160 : vector<16xi32> to vector<16xi32>
    %add3A_162 = arith.addi %mul3A_158, %get3A_161 : vector<16xi32>
    %shift_right_logical3A_163 = arith.constant 4 : i32
    %shift_right_logical3A_164 = vector.broadcast %shift_right_logical3A_163 : i32 to vector<16xi32>
    %shift_right_logical3A_165 = arith.shrui %add3A_162, %shift_right_logical3A_164 : vector<16xi32>
    %swap3A_166 = arith.constant 128 : index
    %swap3A_167 = tpu.vector_load %arg6[%swap3A_166] {strides = array<i32>} : memref<512xi32, #tpu.memory_space<vmem>>, vector<16xi32>,
    %swap3A_168 = vector.shape_cast %swap3A_167 : vector<16xi32> to vector<16xi32>
    %swap3A_169 = vector.shape_cast %shift_right_logical3A_165 : vector<16xi32> to vector<16xi32>
    tpu.vector_store %arg6[%swap3A_166], %swap3A_169 {strides = array<i32>} : memref<512xi32, #tpu.memory_space<vmem>>, vector<16xi32>,
    %add3A_170 = arith.constant 144 : i32
    %add3A_171 = arith.addi %mul3A_2, %add3A_170 : i32
    %iota3A_172 = tpu.iota {dimensions = array<i32: 0>} : vector<16xi32>
    %add3A_173 = vector.broadcast %add3A_171 : i32 to vector<16xi32>
    %add3A_174 = arith.addi %add3A_173, %iota3A_172 : vector<16xi32>
    %mul3A_175 = arith.constant 1000 : i32
    %mul3A_176 = vector.broadcast %mul3A_175 : i32 to vector<16xi32>
    %mul3A_177 = arith.muli %add3A_174, %mul3A_176 : vector<16xi32>
    %get3A_178 = arith.constant 144 : index
    %get3A_179 = tpu.vector_load %arg5[%get3A_178] {strides = array<i32>} : memref<512xi32, #tpu.memory_space<vmem>>, vector<16xi32>,
    %get3A_180 = vector.shape_cast %get3A_179 : vector<16xi32> to vector<16xi32>
    %add3A_181 = arith.addi %mul3A_177, %get3A_180 : vector<16xi32>
    %shift_right_logical3A_182 = arith.constant 4 : i32
    %shift_right_logical3A_183 = vector.broadcast %shift_right_logical3A_182 : i32 to vector<16xi32>
    %shift_right_logical3A_184 = arith.shrui %add3A_181, %shift_right_logical3A_183 : vector<16xi32>
    %swap3A_185 = arith.constant 144 : index
    %swap3A_186 = tpu.vector_load %arg6[%swap3A_185] {strides = array<i32>} : memref<512xi32, #tpu.memory_space<vmem>>, vector<16xi32>,
    %swap3A_187 = vector.shape_cast %swap3A_186 : vector<16xi32> to vector<16xi32>
    %swap3A_188 = vector.shape_cast %shift_right_logical3A_184 : vector<16xi32> to vector<16xi32>
    tpu.vector_store %arg6[%swap3A_185], %swap3A_188 {strides = array<i32>} : memref<512xi32, #tpu.memory_space<vmem>>, vector<16xi32>,
    %add3A_189 = arith.constant 160 : i32
    %add3A_190 = arith.addi %mul3A_2, %add3A_189 : i32
    %iota3A_191 = tpu.iota {dimensions = array<i32: 0>} : vector<16xi32>
    %add3A_192 = vector.broadcast %add3A_190 : i32 to vector<16xi32>
    %add3A_193 = arith.addi %add3A_192, %iota3A_191 : vector<16xi32>
    %mul3A_194 = arith.constant 1000 : i32
    %mul3A_195 = vector.broadcast %mul3A_194 : i32 to vector<16xi32>
    %mul3A_196 = arith.muli %add3A_193, %mul3A_195 : vector<16xi32>
    %get3A_197 = arith.constant 160 : index
    %get3A_198 = tpu.vector_load %arg5[%get3A_197] {strides = array<i32>} : memref<512xi32, #tpu.memory_space<vmem>>, vector<16xi32>,
    %get3A_199 = vector.shape_cast %get3A_198 : vector<16xi32> to vector<16xi32>
    %add3A_200 = arith.addi %mul3A_196, %get3A_199 : vector<16xi32>
    %shift_right_logical3A_201 = arith.constant 4 : i32
    %shift_right_logical3A_202 = vector.broadcast %shift_right_logical3A_201 : i32 to vector<16xi32>
    %shift_right_logical3A_203 = arith.shrui %add3A_200, %shift_right_logical3A_202 : vector<16xi32>
    %swap3A_204 = arith.constant 160 : index
    %swap3A_205 = tpu.vector_load %arg6[%swap3A_204] {strides = array<i32>} : memref<512xi32, #tpu.memory_space<vmem>>, vector<16xi32>,
    %swap3A_206 = vector.shape_cast %swap3A_205 : vector<16xi32> to vector<16xi32>
    %swap3A_207 = vector.shape_cast %shift_right_logical3A_203 : vector<16xi32> to vector<16xi32>
    tpu.vector_store %arg6[%swap3A_204], %swap3A_207 {strides = array<i32>} : memref<512xi32, #tpu.memory_space<vmem>>, vector<16xi32>,
    %add3A_208 = arith.constant 176 : i32
    %add3A_209 = arith.addi %mul3A_2, %add3A_208 : i32
    %iota3A_210 = tpu.iota {dimensions = array<i32: 0>} : vector<16xi32>
    %add3A_211 = vector.broadcast %add3A_209 : i32 to vector<16xi32>
    %add3A_212 = arith.addi %add3A_211, %iota3A_210 : vector<16xi32>
    %mul3A_213 = arith.constant 1000 : i32
    %mul3A_214 = vector.broadcast %mul3A_213 : i32 to vector<16xi32>
    %mul3A_215 = arith.muli %add3A_212, %mul3A_214 : vector<16xi32>
    %get3A_216 = arith.constant 176 : index
    %get3A_217 = tpu.vector_load %arg5[%get3A_216] {strides = array<i32>} : memref<512xi32, #tpu.memory_space<vmem>>, vector<16xi32>,
    %get3A_218 = vector.shape_cast %get3A_217 : vector<16xi32> to vector<16xi32>
    %add3A_219 = arith.addi %mul3A_215, %get3A_218 : vector<16xi32>
    %shift_right_logical3A_220 = arith.constant 4 : i32
    %shift_right_logical3A_221 = vector.broadcast %shift_right_logical3A_220 : i32 to vector<16xi32>
    %shift_right_logical3A_222 = arith.shrui %add3A_219, %shift_right_logical3A_221 : vector<16xi32>
    %swap3A_223 = arith.constant 176 : index
    %swap3A_224 = tpu.vector_load %arg6[%swap3A_223] {strides = array<i32>} : memref<512xi32, #tpu.memory_space<vmem>>, vector<16xi32>,
    %swap3A_225 = vector.shape_cast %swap3A_224 : vector<16xi32> to vector<16xi32>
    %swap3A_226 = vector.shape_cast %shift_right_logical3A_222 : vector<16xi32> to vector<16xi32>
    tpu.vector_store %arg6[%swap3A_223], %swap3A_226 {strides = array<i32>} : memref<512xi32, #tpu.memory_space<vmem>>, vector<16xi32>,
    %add3A_227 = arith.constant 192 : i32
    %add3A_228 = arith.addi %mul3A_2, %add3A_227 : i32
    %iota3A_229 = tpu.iota {dimensions = array<i32: 0>} : vector<16xi32>
    %add3A_230 = vector.broadcast %add3A_228 : i32 to vector<16xi32>
    %add3A_231 = arith.addi %add3A_230, %iota3A_229 : vector<16xi32>
    %mul3A_232 = arith.constant 1000 : i32
    %mul3A_233 = vector.broadcast %mul3A_232 : i32 to vector<16xi32>
    %mul3A_234 = arith.muli %add3A_231, %mul3A_233 : vector<16xi32>
    %get3A_235 = arith.constant 192 : index
    %get3A_236 = tpu.vector_load %arg5[%get3A_235] {strides = array<i32>} : memref<512xi32, #tpu.memory_space<vmem>>, vector<16xi32>,
    %get3A_237 = vector.shape_cast %get3A_236 : vector<16xi32> to vector<16xi32>
    %add3A_238 = arith.addi %mul3A_234, %get3A_237 : vector<16xi32>
    %shift_right_logical3A_239 = arith.constant 4 : i32
    %shift_right_logical3A_240 = vector.broadcast %shift_right_logical3A_239 : i32 to vector<16xi32>
    %shift_right_logical3A_241 = arith.shrui %add3A_238, %shift_right_logical3A_240 : vector<16xi32>
    %swap3A_242 = arith.constant 192 : index
    %swap3A_243 = tpu.vector_load %arg6[%swap3A_242] {strides = array<i32>} : memref<512xi32, #tpu.memory_space<vmem>>, vector<16xi32>,
    %swap3A_244 = vector.shape_cast %swap3A_243 : vector<16xi32> to vector<16xi32>
    %swap3A_245 = vector.shape_cast %shift_right_logical3A_241 : vector<16xi32> to vector<16xi32>
    tpu.vector_store %arg6[%swap3A_242], %swap3A_245 {strides = array<i32>} : memref<512xi32, #tpu.memory_space<vmem>>, vector<16xi32>,
    %add3A_246 = arith.constant 208 : i32
    %add3A_247 = arith.addi %mul3A_2, %add3A_246 : i32
    %iota3A_248 = tpu.iota {dimensions = array<i32: 0>} : vector<16xi32>
    %add3A_249 = vector.broadcast %add3A_247 : i32 to vector<16xi32>
    %add3A_250 = arith.addi %add3A_249, %iota3A_248 : vector<16xi32>
    %mul3A_251 = arith.constant 1000 : i32
    %mul3A_252 = vector.broadcast %mul3A_251 : i32 to vector<16xi32>
    %mul3A_253 = arith.muli %add3A_250, %mul3A_252 : vector<16xi32>
    %get3A_254 = arith.constant 208 : index
    %get3A_255 = tpu.vector_load %arg5[%get3A_254] {strides = array<i32>} : memref<512xi32, #tpu.memory_space<vmem>>, vector<16xi32>,
    %get3A_256 = vector.shape_cast %get3A_255 : vector<16xi32> to vector<16xi32>
    %add3A_257 = arith.addi %mul3A_253, %get3A_256 : vector<16xi32>
    %shift_right_logical3A_258 = arith.constant 4 : i32
    %shift_right_logical3A_259 = vector.broadcast %shift_right_logical3A_258 : i32 to vector<16xi32>
    %shift_right_logical3A_260 = arith.shrui %add3A_257, %shift_right_logical3A_259 : vector<16xi32>
    %swap3A_261 = arith.constant 208 : index
    %swap3A_262 = tpu.vector_load %arg6[%swap3A_261] {strides = array<i32>} : memref<512xi32, #tpu.memory_space<vmem>>, vector<16xi32>,
    %swap3A_263 = vector.shape_cast %swap3A_262 : vector<16xi32> to vector<16xi32>
    %swap3A_264 = vector.shape_cast %shift_right_logical3A_260 : vector<16xi32> to vector<16xi32>
    tpu.vector_store %arg6[%swap3A_261], %swap3A_264 {strides = array<i32>} : memref<512xi32, #tpu.memory_space<vmem>>, vector<16xi32>,
    %add3A_265 = arith.constant 224 : i32
    %add3A_266 = arith.addi %mul3A_2, %add3A_265 : i32
    %iota3A_267 = tpu.iota {dimensions = array<i32: 0>} : vector<16xi32>
    %add3A_268 = vector.broadcast %add3A_266 : i32 to vector<16xi32>
    %add3A_269 = arith.addi %add3A_268, %iota3A_267 : vector<16xi32>
    %mul3A_270 = arith.constant 1000 : i32
    %mul3A_271 = vector.broadcast %mul3A_270 : i32 to vector<16xi32>
    %mul3A_272 = arith.muli %add3A_269, %mul3A_271 : vector<16xi32>
    %get3A_273 = arith.constant 224 : index
    %get3A_274 = tpu.vector_load %arg5[%get3A_273] {strides = array<i32>} : memref<512xi32, #tpu.memory_space<vmem>>, vector<16xi32>,
    %get3A_275 = vector.shape_cast %get3A_274 : vector<16xi32> to vector<16xi32>
    %add3A_276 = arith.addi %mul3A_272, %get3A_275 : vector<16xi32>
    %shift_right_logical3A_277 = arith.constant 4 : i32
    %shift_right_logical3A_278 = vector.broadcast %shift_right_logical3A_277 : i32 to vector<16xi32>
    %shift_right_logical3A_279 = arith.shrui %add3A_276, %shift_right_logical3A_278 : vector<16xi32>
    %swap3A_280 = arith.constant 224 : index
    %swap3A_281 = tpu.vector_load %arg6[%swap3A_280] {strides = array<i32>} : memref<512xi32, #tpu.memory_space<vmem>>, vector<16xi32>,
    %swap3A_282 = vector.shape_cast %swap3A_281 : vector<16xi32> to vector<16xi32>
    %swap3A_283 = vector.shape_cast %shift_right_logical3A_279 : vector<16xi32> to vector<16xi32>
    tpu.vector_store %arg6[%swap3A_280], %swap3A_283 {strides = array<i32>} : memref<512xi32, #tpu.memory_space<vmem>>, vector<16xi32>,
    %add3A_284 = arith.constant 240 : i32
    %add3A_285 = arith.addi %mul3A_2, %add3A_284 : i32
    %iota3A_286 = tpu.iota {dimensions = array<i32: 0>} : vector<16xi32>
    %add3A_287 = vector.broadcast %add3A_285 : i32 to vector<16xi32>
    %add3A_288 = arith.addi %add3A_287, %iota3A_286 : vector<16xi32>
    %mul3A_289 = arith.constant 1000 : i32
    %mul3A_290 = vector.broadcast %mul3A_289 : i32 to vector<16xi32>
    %mul3A_291 = arith.muli %add3A_288, %mul3A_290 : vector<16xi32>
    %get3A_292 = arith.constant 240 : index
    %get3A_293 = tpu.vector_load %arg5[%get3A_292] {strides = array<i32>} : memref<512xi32, #tpu.memory_space<vmem>>, vector<16xi32>,
    %get3A_294 = vector.shape_cast %get3A_293 : vector<16xi32> to vector<16xi32>
    %add3A_295 = arith.addi %mul3A_291, %get3A_294 : vector<16xi32>
    %shift_right_logical3A_296 = arith.constant 4 : i32
    %shift_right_logical3A_297 = vector.broadcast %shift_right_logical3A_296 : i32 to vector<16xi32>
    %shift_right_logical3A_298 = arith.shrui %add3A_295, %shift_right_logical3A_297 : vector<16xi32>
    %swap3A_299 = arith.constant 240 : index
    %swap3A_300 = tpu.vector_load %arg6[%swap3A_299] {strides = array<i32>} : memref<512xi32, #tpu.memory_space<vmem>>, vector<16xi32>,
    %swap3A_301 = vector.shape_cast %swap3A_300 : vector<16xi32> to vector<16xi32>
    %swap3A_302 = vector.shape_cast %shift_right_logical3A_298 : vector<16xi32> to vector<16xi32>
    tpu.vector_store %arg6[%swap3A_299], %swap3A_302 {strides = array<i32>} : memref<512xi32, #tpu.memory_space<vmem>>, vector<16xi32>,
    %add3A_303 = arith.constant 256 : i32
    %add3A_304 = arith.addi %mul3A_2, %add3A_303 : i32
    %iota3A_305 = tpu.iota {dimensions = array<i32: 0>} : vector<16xi32>
    %add3A_306 = vector.broadcast %add3A_304 : i32 to vector<16xi32>
    %add3A_307 = arith.addi %add3A_306, %iota3A_305 : vector<16xi32>
    %mul3A_308 = arith.constant 1000 : i32
    %mul3A_309 = vector.broadcast %mul3A_308 : i32 to vector<16xi32>
    %mul3A_310 = arith.muli %add3A_307, %mul3A_309 : vector<16xi32>
    %get3A_311 = arith.constant 256 : index
    %get3A_312 = tpu.vector_load %arg5[%get3A_311] {strides = array<i32>} : memref<512xi32, #tpu.memory_space<vmem>>, vector<16xi32>,
    %get3A_313 = vector.shape_cast %get3A_312 : vector<16xi32> to vector<16xi32>
    %add3A_314 = arith.addi %mul3A_310, %get3A_313 : vector<16xi32>
    %shift_right_logical3A_315 = arith.constant 4 : i32
    %shift_right_logical3A_316 = vector.broadcast %shift_right_logical3A_315 : i32 to vector<16xi32>
    %shift_right_logical3A_317 = arith.shrui %add3A_314, %shift_right_logical3A_316 : vector<16xi32>
    %swap3A_318 = arith.constant 256 : index
    %swap3A_319 = tpu.vector_load %arg6[%swap3A_318] {strides = array<i32>} : memref<512xi32, #tpu.memory_space<vmem>>, vector<16xi32>,
    %swap3A_320 = vector.shape_cast %swap3A_319 : vector<16xi32> to vector<16xi32>
    %swap3A_321 = vector.shape_cast %shift_right_logical3A_317 : vector<16xi32> to vector<16xi32>
    tpu.vector_store %arg6[%swap3A_318], %swap3A_321 {strides = array<i32>} : memref<512xi32, #tpu.memory_space<vmem>>, vector<16xi32>,
    %add3A_322 = arith.constant 272 : i32
    %add3A_323 = arith.addi %mul3A_2, %add3A_322 : i32
    %iota3A_324 = tpu.iota {dimensions = array<i32: 0>} : vector<16xi32>
    %add3A_325 = vector.broadcast %add3A_323 : i32 to vector<16xi32>
    %add3A_326 = arith.addi %add3A_325, %iota3A_324 : vector<16xi32>
    %mul3A_327 = arith.constant 1000 : i32
    %mul3A_328 = vector.broadcast %mul3A_327 : i32 to vector<16xi32>
    %mul3A_329 = arith.muli %add3A_326, %mul3A_328 : vector<16xi32>
    %get3A_330 = arith.constant 272 : index
    %get3A_331 = tpu.vector_load %arg5[%get3A_330] {strides = array<i32>} : memref<512xi32, #tpu.memory_space<vmem>>, vector<16xi32>,
    %get3A_332 = vector.shape_cast %get3A_331 : vector<16xi32> to vector<16xi32>
    %add3A_333 = arith.addi %mul3A_329, %get3A_332 : vector<16xi32>
    %shift_right_logical3A_334 = arith.constant 4 : i32
    %shift_right_logical3A_335 = vector.broadcast %shift_right_logical3A_334 : i32 to vector<16xi32>
    %shift_right_logical3A_336 = arith.shrui %add3A_333, %shift_right_logical3A_335 : vector<16xi32>
    %swap3A_337 = arith.constant 272 : index
    %swap3A_338 = tpu.vector_load %arg6[%swap3A_337] {strides = array<i32>} : memref<512xi32, #tpu.memory_space<vmem>>, vector<16xi32>,
    %swap3A_339 = vector.shape_cast %swap3A_338 : vector<16xi32> to vector<16xi32>
    %swap3A_340 = vector.shape_cast %shift_right_logical3A_336 : vector<16xi32> to vector<16xi32>
    tpu.vector_store %arg6[%swap3A_337], %swap3A_340 {strides = array<i32>} : memref<512xi32, #tpu.memory_space<vmem>>, vector<16xi32>,
    %add3A_341 = arith.constant 288 : i32
    %add3A_342 = arith.addi %mul3A_2, %add3A_341 : i32
    %iota3A_343 = tpu.iota {dimensions = array<i32: 0>} : vector<16xi32>
    %add3A_344 = vector.broadcast %add3A_342 : i32 to vector<16xi32>
    %add3A_345 = arith.addi %add3A_344, %iota3A_343 : vector<16xi32>
    %mul3A_346 = arith.constant 1000 : i32
    %mul3A_347 = vector.broadcast %mul3A_346 : i32 to vector<16xi32>
    %mul3A_348 = arith.muli %add3A_345, %mul3A_347 : vector<16xi32>
    %get3A_349 = arith.constant 288 : index
    %get3A_350 = tpu.vector_load %arg5[%get3A_349] {strides = array<i32>} : memref<512xi32, #tpu.memory_space<vmem>>, vector<16xi32>,
    %get3A_351 = vector.shape_cast %get3A_350 : vector<16xi32> to vector<16xi32>
    %add3A_352 = arith.addi %mul3A_348, %get3A_351 : vector<16xi32>
    %shift_right_logical3A_353 = arith.constant 4 : i32
    %shift_right_logical3A_354 = vector.broadcast %shift_right_logical3A_353 : i32 to vector<16xi32>
    %shift_right_logical3A_355 = arith.shrui %add3A_352, %shift_right_logical3A_354 : vector<16xi32>
    %swap3A_356 = arith.constant 288 : index
    %swap3A_357 = tpu.vector_load %arg6[%swap3A_356] {strides = array<i32>} : memref<512xi32, #tpu.memory_space<vmem>>, vector<16xi32>,
    %swap3A_358 = vector.shape_cast %swap3A_357 : vector<16xi32> to vector<16xi32>
    %swap3A_359 = vector.shape_cast %shift_right_logical3A_355 : vector<16xi32> to vector<16xi32>
    tpu.vector_store %arg6[%swap3A_356], %swap3A_359 {strides = array<i32>} : memref<512xi32, #tpu.memory_space<vmem>>, vector<16xi32>,
    %add3A_360 = arith.constant 304 : i32
    %add3A_361 = arith.addi %mul3A_2, %add3A_360 : i32
    %iota3A_362 = tpu.iota {dimensions = array<i32: 0>} : vector<16xi32>
    %add3A_363 = vector.broadcast %add3A_361 : i32 to vector<16xi32>
    %add3A_364 = arith.addi %add3A_363, %iota3A_362 : vector<16xi32>
    %mul3A_365 = arith.constant 1000 : i32
    %mul3A_366 = vector.broadcast %mul3A_365 : i32 to vector<16xi32>
    %mul3A_367 = arith.muli %add3A_364, %mul3A_366 : vector<16xi32>
    %get3A_368 = arith.constant 304 : index
    %get3A_369 = tpu.vector_load %arg5[%get3A_368] {strides = array<i32>} : memref<512xi32, #tpu.memory_space<vmem>>, vector<16xi32>,
    %get3A_370 = vector.shape_cast %get3A_369 : vector<16xi32> to vector<16xi32>
    %add3A_371 = arith.addi %mul3A_367, %get3A_370 : vector<16xi32>
    %shift_right_logical3A_372 = arith.constant 4 : i32
    %shift_right_logical3A_373 = vector.broadcast %shift_right_logical3A_372 : i32 to vector<16xi32>
    %shift_right_logical3A_374 = arith.shrui %add3A_371, %shift_right_logical3A_373 : vector<16xi32>
    %swap3A_375 = arith.constant 304 : index
    %swap3A_376 = tpu.vector_load %arg6[%swap3A_375] {strides = array<i32>} : memref<512xi32, #tpu.memory_space<vmem>>, vector<16xi32>,
    %swap3A_377 = vector.shape_cast %swap3A_376 : vector<16xi32> to vector<16xi32>
    %swap3A_378 = vector.shape_cast %shift_right_logical3A_374 : vector<16xi32> to vector<16xi32>
    tpu.vector_store %arg6[%swap3A_375], %swap3A_378 {strides = array<i32>} : memref<512xi32, #tpu.memory_space<vmem>>, vector<16xi32>,
    %add3A_379 = arith.constant 320 : i32
    %add3A_380 = arith.addi %mul3A_2, %add3A_379 : i32
    %iota3A_381 = tpu.iota {dimensions = array<i32: 0>} : vector<16xi32>
    %add3A_382 = vector.broadcast %add3A_380 : i32 to vector<16xi32>
    %add3A_383 = arith.addi %add3A_382, %iota3A_381 : vector<16xi32>
    %mul3A_384 = arith.constant 1000 : i32
    %mul3A_385 = vector.broadcast %mul3A_384 : i32 to vector<16xi32>
    %mul3A_386 = arith.muli %add3A_383, %mul3A_385 : vector<16xi32>
    %get3A_387 = arith.constant 320 : index
    %get3A_388 = tpu.vector_load %arg5[%get3A_387] {strides = array<i32>} : memref<512xi32, #tpu.memory_space<vmem>>, vector<16xi32>,
    %get3A_389 = vector.shape_cast %get3A_388 : vector<16xi32> to vector<16xi32>
    %add3A_390 = arith.addi %mul3A_386, %get3A_389 : vector<16xi32>
    %shift_right_logical3A_391 = arith.constant 4 : i32
    %shift_right_logical3A_392 = vector.broadcast %shift_right_logical3A_391 : i32 to vector<16xi32>
    %shift_right_logical3A_393 = arith.shrui %add3A_390, %shift_right_logical3A_392 : vector<16xi32>
    %swap3A_394 = arith.constant 320 : index
    %swap3A_395 = tpu.vector_load %arg6[%swap3A_394] {strides = array<i32>} : memref<512xi32, #tpu.memory_space<vmem>>, vector<16xi32>,
    %swap3A_396 = vector.shape_cast %swap3A_395 : vector<16xi32> to vector<16xi32>
    %swap3A_397 = vector.shape_cast %shift_right_logical3A_393 : vector<16xi32> to vector<16xi32>
    tpu.vector_store %arg6[%swap3A_394], %swap3A_397 {strides = array<i32>} : memref<512xi32, #tpu.memory_space<vmem>>, vector<16xi32>,
    %add3A_398 = arith.constant 336 : i32
    %add3A_399 = arith.addi %mul3A_2, %add3A_398 : i32
    %iota3A_400 = tpu.iota {dimensions = array<i32: 0>} : vector<16xi32>
    %add3A_401 = vector.broadcast %add3A_399 : i32 to vector<16xi32>
    %add3A_402 = arith.addi %add3A_401, %iota3A_400 : vector<16xi32>
    %mul3A_403 = arith.constant 1000 : i32
    %mul3A_404 = vector.broadcast %mul3A_403 : i32 to vector<16xi32>
    %mul3A_405 = arith.muli %add3A_402, %mul3A_404 : vector<16xi32>
    %get3A_406 = arith.constant 336 : index
    %get3A_407 = tpu.vector_load %arg5[%get3A_406] {strides = array<i32>} : memref<512xi32, #tpu.memory_space<vmem>>, vector<16xi32>,
    %get3A_408 = vector.shape_cast %get3A_407 : vector<16xi32> to vector<16xi32>
    %add3A_409 = arith.addi %mul3A_405, %get3A_408 : vector<16xi32>
    %shift_right_logical3A_410 = arith.constant 4 : i32
    %shift_right_logical3A_411 = vector.broadcast %shift_right_logical3A_410 : i32 to vector<16xi32>
    %shift_right_logical3A_412 = arith.shrui %add3A_409, %shift_right_logical3A_411 : vector<16xi32>
    %swap3A_413 = arith.constant 336 : index
    %swap3A_414 = tpu.vector_load %arg6[%swap3A_413] {strides = array<i32>} : memref<512xi32, #tpu.memory_space<vmem>>, vector<16xi32>,
    %swap3A_415 = vector.shape_cast %swap3A_414 : vector<16xi32> to vector<16xi32>
    %swap3A_416 = vector.shape_cast %shift_right_logical3A_412 : vector<16xi32> to vector<16xi32>
    tpu.vector_store %arg6[%swap3A_413], %swap3A_416 {strides = array<i32>} : memref<512xi32, #tpu.memory_space<vmem>>, vector<16xi32>,
    %add3A_417 = arith.constant 352 : i32
    %add3A_418 = arith.addi %mul3A_2, %add3A_417 : i32
    %iota3A_419 = tpu.iota {dimensions = array<i32: 0>} : vector<16xi32>
    %add3A_420 = vector.broadcast %add3A_418 : i32 to vector<16xi32>
    %add3A_421 = arith.addi %add3A_420, %iota3A_419 : vector<16xi32>
    %mul3A_422 = arith.constant 1000 : i32
    %mul3A_423 = vector.broadcast %mul3A_422 : i32 to vector<16xi32>
    %mul3A_424 = arith.muli %add3A_421, %mul3A_423 : vector<16xi32>
    %get3A_425 = arith.constant 352 : index
    %get3A_426 = tpu.vector_load %arg5[%get3A_425] {strides = array<i32>} : memref<512xi32, #tpu.memory_space<vmem>>, vector<16xi32>,
    %get3A_427 = vector.shape_cast %get3A_426 : vector<16xi32> to vector<16xi32>
    %add3A_428 = arith.addi %mul3A_424, %get3A_427 : vector<16xi32>
    %shift_right_logical3A_429 = arith.constant 4 : i32
    %shift_right_logical3A_430 = vector.broadcast %shift_right_logical3A_429 : i32 to vector<16xi32>
    %shift_right_logical3A_431 = arith.shrui %add3A_428, %shift_right_logical3A_430 : vector<16xi32>
    %swap3A_432 = arith.constant 352 : index
    %swap3A_433 = tpu.vector_load %arg6[%swap3A_432] {strides = array<i32>} : memref<512xi32, #tpu.memory_space<vmem>>, vector<16xi32>,
    %swap3A_434 = vector.shape_cast %swap3A_433 : vector<16xi32> to vector<16xi32>
    %swap3A_435 = vector.shape_cast %shift_right_logical3A_431 : vector<16xi32> to vector<16xi32>
    tpu.vector_store %arg6[%swap3A_432], %swap3A_435 {strides = array<i32>} : memref<512xi32, #tpu.memory_space<vmem>>, vector<16xi32>,
    %add3A_436 = arith.constant 368 : i32
    %add3A_437 = arith.addi %mul3A_2, %add3A_436 : i32
    %iota3A_438 = tpu.iota {dimensions = array<i32: 0>} : vector<16xi32>
    %add3A_439 = vector.broadcast %add3A_437 : i32 to vector<16xi32>
    %add3A_440 = arith.addi %add3A_439, %iota3A_438 : vector<16xi32>
    %mul3A_441 = arith.constant 1000 : i32
    %mul3A_442 = vector.broadcast %mul3A_441 : i32 to vector<16xi32>
    %mul3A_443 = arith.muli %add3A_440, %mul3A_442 : vector<16xi32>
    %get3A_444 = arith.constant 368 : index
    %get3A_445 = tpu.vector_load %arg5[%get3A_444] {strides = array<i32>} : memref<512xi32, #tpu.memory_space<vmem>>, vector<16xi32>,
    %get3A_446 = vector.shape_cast %get3A_445 : vector<16xi32> to vector<16xi32>
    %add3A_447 = arith.addi %mul3A_443, %get3A_446 : vector<16xi32>
    %shift_right_logical3A_448 = arith.constant 4 : i32
    %shift_right_logical3A_449 = vector.broadcast %shift_right_logical3A_448 : i32 to vector<16xi32>
    %shift_right_logical3A_450 = arith.shrui %add3A_447, %shift_right_logical3A_449 : vector<16xi32>
    %swap3A_451 = arith.constant 368 : index
    %swap3A_452 = tpu.vector_load %arg6[%swap3A_451] {strides = array<i32>} : memref<512xi32, #tpu.memory_space<vmem>>, vector<16xi32>,
    %swap3A_453 = vector.shape_cast %swap3A_452 : vector<16xi32> to vector<16xi32>
    %swap3A_454 = vector.shape_cast %shift_right_logical3A_450 : vector<16xi32> to vector<16xi32>
    tpu.vector_store %arg6[%swap3A_451], %swap3A_454 {strides = array<i32>} : memref<512xi32, #tpu.memory_space<vmem>>, vector<16xi32>,
    %add3A_455 = arith.constant 384 : i32
    %add3A_456 = arith.addi %mul3A_2, %add3A_455 : i32
    %iota3A_457 = tpu.iota {dimensions = array<i32: 0>} : vector<16xi32>
    %add3A_458 = vector.broadcast %add3A_456 : i32 to vector<16xi32>
    %add3A_459 = arith.addi %add3A_458, %iota3A_457 : vector<16xi32>
    %mul3A_460 = arith.constant 1000 : i32
    %mul3A_461 = vector.broadcast %mul3A_460 : i32 to vector<16xi32>
    %mul3A_462 = arith.muli %add3A_459, %mul3A_461 : vector<16xi32>
    %get3A_463 = arith.constant 384 : index
    %get3A_464 = tpu.vector_load %arg5[%get3A_463] {strides = array<i32>} : memref<512xi32, #tpu.memory_space<vmem>>, vector<16xi32>,
    %get3A_465 = vector.shape_cast %get3A_464 : vector<16xi32> to vector<16xi32>
    %add3A_466 = arith.addi %mul3A_462, %get3A_465 : vector<16xi32>
    %shift_right_logical3A_467 = arith.constant 4 : i32
    %shift_right_logical3A_468 = vector.broadcast %shift_right_logical3A_467 : i32 to vector<16xi32>
    %shift_right_logical3A_469 = arith.shrui %add3A_466, %shift_right_logical3A_468 : vector<16xi32>
    %swap3A_470 = arith.constant 384 : index
    %swap3A_471 = tpu.vector_load %arg6[%swap3A_470] {strides = array<i32>} : memref<512xi32, #tpu.memory_space<vmem>>, vector<16xi32>,
    %swap3A_472 = vector.shape_cast %swap3A_471 : vector<16xi32> to vector<16xi32>
    %swap3A_473 = vector.shape_cast %shift_right_logical3A_469 : vector<16xi32> to vector<16xi32>
    tpu.vector_store %arg6[%swap3A_470], %swap3A_473 {strides = array<i32>} : memref<512xi32, #tpu.memory_space<vmem>>, vector<16xi32>,
    %add3A_474 = arith.constant 400 : i32
    %add3A_475 = arith.addi %mul3A_2, %add3A_474 : i32
    %iota3A_476 = tpu.iota {dimensions = array<i32: 0>} : vector<16xi32>
    %add3A_477 = vector.broadcast %add3A_475 : i32 to vector<16xi32>
    %add3A_478 = arith.addi %add3A_477, %iota3A_476 : vector<16xi32>
    %mul3A_479 = arith.constant 1000 : i32
    %mul3A_480 = vector.broadcast %mul3A_479 : i32 to vector<16xi32>
    %mul3A_481 = arith.muli %add3A_478, %mul3A_480 : vector<16xi32>
    %get3A_482 = arith.constant 400 : index
    %get3A_483 = tpu.vector_load %arg5[%get3A_482] {strides = array<i32>} : memref<512xi32, #tpu.memory_space<vmem>>, vector<16xi32>,
    %get3A_484 = vector.shape_cast %get3A_483 : vector<16xi32> to vector<16xi32>
    %add3A_485 = arith.addi %mul3A_481, %get3A_484 : vector<16xi32>
    %shift_right_logical3A_486 = arith.constant 4 : i32
    %shift_right_logical3A_487 = vector.broadcast %shift_right_logical3A_486 : i32 to vector<16xi32>
    %shift_right_logical3A_488 = arith.shrui %add3A_485, %shift_right_logical3A_487 : vector<16xi32>
    %swap3A_489 = arith.constant 400 : index
    %swap3A_490 = tpu.vector_load %arg6[%swap3A_489] {strides = array<i32>} : memref<512xi32, #tpu.memory_space<vmem>>, vector<16xi32>,
    %swap3A_491 = vector.shape_cast %swap3A_490 : vector<16xi32> to vector<16xi32>
    %swap3A_492 = vector.shape_cast %shift_right_logical3A_488 : vector<16xi32> to vector<16xi32>
    tpu.vector_store %arg6[%swap3A_489], %swap3A_492 {strides = array<i32>} : memref<512xi32, #tpu.memory_space<vmem>>, vector<16xi32>,
    %add3A_493 = arith.constant 416 : i32
    %add3A_494 = arith.addi %mul3A_2, %add3A_493 : i32
    %iota3A_495 = tpu.iota {dimensions = array<i32: 0>} : vector<16xi32>
    %add3A_496 = vector.broadcast %add3A_494 : i32 to vector<16xi32>
    %add3A_497 = arith.addi %add3A_496, %iota3A_495 : vector<16xi32>
    %mul3A_498 = arith.constant 1000 : i32
    %mul3A_499 = vector.broadcast %mul3A_498 : i32 to vector<16xi32>
    %mul3A_500 = arith.muli %add3A_497, %mul3A_499 : vector<16xi32>
    %get3A_501 = arith.constant 416 : index
    %get3A_502 = tpu.vector_load %arg5[%get3A_501] {strides = array<i32>} : memref<512xi32, #tpu.memory_space<vmem>>, vector<16xi32>,
    %get3A_503 = vector.shape_cast %get3A_502 : vector<16xi32> to vector<16xi32>
    %add3A_504 = arith.addi %mul3A_500, %get3A_503 : vector<16xi32>
    %shift_right_logical3A_505 = arith.constant 4 : i32
    %shift_right_logical3A_506 = vector.broadcast %shift_right_logical3A_505 : i32 to vector<16xi32>
    %shift_right_logical3A_507 = arith.shrui %add3A_504, %shift_right_logical3A_506 : vector<16xi32>
    %swap3A_508 = arith.constant 416 : index
    %swap3A_509 = tpu.vector_load %arg6[%swap3A_508] {strides = array<i32>} : memref<512xi32, #tpu.memory_space<vmem>>, vector<16xi32>,
    %swap3A_510 = vector.shape_cast %swap3A_509 : vector<16xi32> to vector<16xi32>
    %swap3A_511 = vector.shape_cast %shift_right_logical3A_507 : vector<16xi32> to vector<16xi32>
    tpu.vector_store %arg6[%swap3A_508], %swap3A_511 {strides = array<i32>} : memref<512xi32, #tpu.memory_space<vmem>>, vector<16xi32>,
    %add3A_512 = arith.constant 432 : i32
    %add3A_513 = arith.addi %mul3A_2, %add3A_512 : i32
    %iota3A_514 = tpu.iota {dimensions = array<i32: 0>} : vector<16xi32>
    %add3A_515 = vector.broadcast %add3A_513 : i32 to vector<16xi32>
    %add3A_516 = arith.addi %add3A_515, %iota3A_514 : vector<16xi32>
    %mul3A_517 = arith.constant 1000 : i32
    %mul3A_518 = vector.broadcast %mul3A_517 : i32 to vector<16xi32>
    %mul3A_519 = arith.muli %add3A_516, %mul3A_518 : vector<16xi32>
    %get3A_520 = arith.constant 432 : index
    %get3A_521 = tpu.vector_load %arg5[%get3A_520] {strides = array<i32>} : memref<512xi32, #tpu.memory_space<vmem>>, vector<16xi32>,
    %get3A_522 = vector.shape_cast %get3A_521 : vector<16xi32> to vector<16xi32>
    %add3A_523 = arith.addi %mul3A_519, %get3A_522 : vector<16xi32>
    %shift_right_logical3A_524 = arith.constant 4 : i32
    %shift_right_logical3A_525 = vector.broadcast %shift_right_logical3A_524 : i32 to vector<16xi32>
    %shift_right_logical3A_526 = arith.shrui %add3A_523, %shift_right_logical3A_525 : vector<16xi32>
    %swap3A_527 = arith.constant 432 : index
    %swap3A_528 = tpu.vector_load %arg6[%swap3A_527] {strides = array<i32>} : memref<512xi32, #tpu.memory_space<vmem>>, vector<16xi32>,
    %swap3A_529 = vector.shape_cast %swap3A_528 : vector<16xi32> to vector<16xi32>
    %swap3A_530 = vector.shape_cast %shift_right_logical3A_526 : vector<16xi32> to vector<16xi32>
    tpu.vector_store %arg6[%swap3A_527], %swap3A_530 {strides = array<i32>} : memref<512xi32, #tpu.memory_space<vmem>>, vector<16xi32>,
    %add3A_531 = arith.constant 448 : i32
    %add3A_532 = arith.addi %mul3A_2, %add3A_531 : i32
    %iota3A_533 = tpu.iota {dimensions = array<i32: 0>} : vector<16xi32>
    %add3A_534 = vector.broadcast %add3A_532 : i32 to vector<16xi32>
    %add3A_535 = arith.addi %add3A_534, %iota3A_533 : vector<16xi32>
    %mul3A_536 = arith.constant 1000 : i32
    %mul3A_537 = vector.broadcast %mul3A_536 : i32 to vector<16xi32>
    %mul3A_538 = arith.muli %add3A_535, %mul3A_537 : vector<16xi32>
    %get3A_539 = arith.constant 448 : index
    %get3A_540 = tpu.vector_load %arg5[%get3A_539] {strides = array<i32>} : memref<512xi32, #tpu.memory_space<vmem>>, vector<16xi32>,
    %get3A_541 = vector.shape_cast %get3A_540 : vector<16xi32> to vector<16xi32>
    %add3A_542 = arith.addi %mul3A_538, %get3A_541 : vector<16xi32>
    %shift_right_logical3A_543 = arith.constant 4 : i32
    %shift_right_logical3A_544 = vector.broadcast %shift_right_logical3A_543 : i32 to vector<16xi32>
    %shift_right_logical3A_545 = arith.shrui %add3A_542, %shift_right_logical3A_544 : vector<16xi32>
    %swap3A_546 = arith.constant 448 : index
    %swap3A_547 = tpu.vector_load %arg6[%swap3A_546] {strides = array<i32>} : memref<512xi32, #tpu.memory_space<vmem>>, vector<16xi32>,
    %swap3A_548 = vector.shape_cast %swap3A_547 : vector<16xi32> to vector<16xi32>
    %swap3A_549 = vector.shape_cast %shift_right_logical3A_545 : vector<16xi32> to vector<16xi32>
    tpu.vector_store %arg6[%swap3A_546], %swap3A_549 {strides = array<i32>} : memref<512xi32, #tpu.memory_space<vmem>>, vector<16xi32>,
    %add3A_550 = arith.constant 464 : i32
    %add3A_551 = arith.addi %mul3A_2, %add3A_550 : i32
    %iota3A_552 = tpu.iota {dimensions = array<i32: 0>} : vector<16xi32>
    %add3A_553 = vector.broadcast %add3A_551 : i32 to vector<16xi32>
    %add3A_554 = arith.addi %add3A_553, %iota3A_552 : vector<16xi32>
    %mul3A_555 = arith.constant 1000 : i32
    %mul3A_556 = vector.broadcast %mul3A_555 : i32 to vector<16xi32>
    %mul3A_557 = arith.muli %add3A_554, %mul3A_556 : vector<16xi32>
    %get3A_558 = arith.constant 464 : index
    %get3A_559 = tpu.vector_load %arg5[%get3A_558] {strides = array<i32>} : memref<512xi32, #tpu.memory_space<vmem>>, vector<16xi32>,
    %get3A_560 = vector.shape_cast %get3A_559 : vector<16xi32> to vector<16xi32>
    %add3A_561 = arith.addi %mul3A_557, %get3A_560 : vector<16xi32>
    %shift_right_logical3A_562 = arith.constant 4 : i32
    %shift_right_logical3A_563 = vector.broadcast %shift_right_logical3A_562 : i32 to vector<16xi32>
    %shift_right_logical3A_564 = arith.shrui %add3A_561, %shift_right_logical3A_563 : vector<16xi32>
    %swap3A_565 = arith.constant 464 : index
    %swap3A_566 = tpu.vector_load %arg6[%swap3A_565] {strides = array<i32>} : memref<512xi32, #tpu.memory_space<vmem>>, vector<16xi32>,
    %swap3A_567 = vector.shape_cast %swap3A_566 : vector<16xi32> to vector<16xi32>
    %swap3A_568 = vector.shape_cast %shift_right_logical3A_564 : vector<16xi32> to vector<16xi32>
    tpu.vector_store %arg6[%swap3A_565], %swap3A_568 {strides = array<i32>} : memref<512xi32, #tpu.memory_space<vmem>>, vector<16xi32>,
    %add3A_569 = arith.constant 480 : i32
    %add3A_570 = arith.addi %mul3A_2, %add3A_569 : i32
    %iota3A_571 = tpu.iota {dimensions = array<i32: 0>} : vector<16xi32>
    %add3A_572 = vector.broadcast %add3A_570 : i32 to vector<16xi32>
    %add3A_573 = arith.addi %add3A_572, %iota3A_571 : vector<16xi32>
    %mul3A_574 = arith.constant 1000 : i32
    %mul3A_575 = vector.broadcast %mul3A_574 : i32 to vector<16xi32>
    %mul3A_576 = arith.muli %add3A_573, %mul3A_575 : vector<16xi32>
    %get3A_577 = arith.constant 480 : index
    %get3A_578 = tpu.vector_load %arg5[%get3A_577] {strides = array<i32>} : memref<512xi32, #tpu.memory_space<vmem>>, vector<16xi32>,
    %get3A_579 = vector.shape_cast %get3A_578 : vector<16xi32> to vector<16xi32>
    %add3A_580 = arith.addi %mul3A_576, %get3A_579 : vector<16xi32>
    %shift_right_logical3A_581 = arith.constant 4 : i32
    %shift_right_logical3A_582 = vector.broadcast %shift_right_logical3A_581 : i32 to vector<16xi32>
    %shift_right_logical3A_583 = arith.shrui %add3A_580, %shift_right_logical3A_582 : vector<16xi32>
    %swap3A_584 = arith.constant 480 : index
    %swap3A_585 = tpu.vector_load %arg6[%swap3A_584] {strides = array<i32>} : memref<512xi32, #tpu.memory_space<vmem>>, vector<16xi32>,
    %swap3A_586 = vector.shape_cast %swap3A_585 : vector<16xi32> to vector<16xi32>
    %swap3A_587 = vector.shape_cast %shift_right_logical3A_583 : vector<16xi32> to vector<16xi32>
    tpu.vector_store %arg6[%swap3A_584], %swap3A_587 {strides = array<i32>} : memref<512xi32, #tpu.memory_space<vmem>>, vector<16xi32>,
    %add3A_588 = arith.constant 496 : i32
    %add3A_589 = arith.addi %mul3A_2, %add3A_588 : i32
    %iota3A_590 = tpu.iota {dimensions = array<i32: 0>} : vector<16xi32>
    %add3A_591 = vector.broadcast %add3A_589 : i32 to vector<16xi32>
    %add3A_592 = arith.addi %add3A_591, %iota3A_590 : vector<16xi32>
    %mul3A_593 = arith.constant 1000 : i32
    %mul3A_594 = vector.broadcast %mul3A_593 : i32 to vector<16xi32>
    %mul3A_595 = arith.muli %add3A_592, %mul3A_594 : vector<16xi32>
    %get3A_596 = arith.constant 496 : index
    %get3A_597 = tpu.vector_load %arg5[%get3A_596] {strides = array<i32>} : memref<512xi32, #tpu.memory_space<vmem>>, vector<16xi32>,
    %get3A_598 = vector.shape_cast %get3A_597 : vector<16xi32> to vector<16xi32>
    %add3A_599 = arith.addi %mul3A_595, %get3A_598 : vector<16xi32>
    %shift_right_logical3A_600 = arith.constant 4 : i32
    %shift_right_logical3A_601 = vector.broadcast %shift_right_logical3A_600 : i32 to vector<16xi32>
    %shift_right_logical3A_602 = arith.shrui %add3A_599, %shift_right_logical3A_601 : vector<16xi32>
    %swap3A_603 = arith.constant 496 : index
    %swap3A_604 = tpu.vector_load %arg6[%swap3A_603] {strides = array<i32>} : memref<512xi32, #tpu.memory_space<vmem>>, vector<16xi32>,
    %swap3A_605 = vector.shape_cast %swap3A_604 : vector<16xi32> to vector<16xi32>
    %swap3A_606 = vector.shape_cast %shift_right_logical3A_602 : vector<16xi32> to vector<16xi32>
    tpu.vector_store %arg6[%swap3A_603], %swap3A_606 {strides = array<i32>} : memref<512xi32, #tpu.memory_space<vmem>>, vector<16xi32>,
    %dma_start3A = arith.constant 0 : i32
    %dma_start3A_607 = arith.constant 0 : i32
    %dma_start3A_608 = tpu.memref_slice %arg7[%dma_start3A, %dma_start3A_607] : memref<512x16xf32, #tpu.memory_space<vmem>> -> memref<128x16xf32, #tpu.memory_space<vmem>>
    %dma_start3A_609 = arith.constant 0 : i32
    %dma_start3A_610 = tpu.memref_slice %arg6[%dma_start3A_609] : memref<512xi32, #tpu.memory_space<vmem>> -> memref<128xi32, #tpu.memory_space<vmem>>
    %dma_start3A_611 = arith.constant 0 : i32
    %dma_start3A_612 = arith.constant 0 : i32
    %dma_start3A_613 = tpu.memref_slice %arg3[%dma_start3A_611, %dma_start3A_612] : memref<1024000x16xf32, #tpu.memory_space<hbm>> -> memref<1024000x16xf32, #tpu.memory_space<hbm>>
    tpu.enqueue_indirect_dma source(%dma_start3A_613 : memref<1024000x16xf32, #tpu.memory_space<hbm>>) target(%dma_start3A_608 : memref<128x16xf32, #tpu.memory_space<vmem>>) offsets(%dma_start3A_610 : memref<128xi32, #tpu.memory_space<vmem>>) semaphore(%arg8 : memref<!tpu.dma_semaphore, #tpu.memory_space<semaphore_mem>>)
    %dma_wait3A = arith.constant 0 : i32
    %dma_wait3A_614 = arith.constant 0 : i32
    %dma_wait3A_615 = tpu.memref_slice %arg7[%dma_wait3A, %dma_wait3A_614] : memref<512x16xf32, #tpu.memory_space<vmem>> -> memref<128x16xf32, #tpu.memory_space<vmem>>
    %dma_wait3A_616 = arith.constant 0 : i32
    %dma_wait3A_617 = tpu.memref_slice %arg6[%dma_wait3A_616] : memref<512xi32, #tpu.memory_space<vmem>> -> memref<128xi32, #tpu.memory_space<vmem>>
    %dma_wait3A_618 = arith.constant 0 : i32
    %dma_wait3A_619 = arith.constant 0 : i32
    %dma_wait3A_620 = tpu.memref_slice %arg3[%dma_wait3A_618, %dma_wait3A_619] : memref<1024000x16xf32, #tpu.memory_space<hbm>> -> memref<1024000x16xf32, #tpu.memory_space<hbm>>
    tpu.wait_indirect_dma semaphore(%arg8 : memref<!tpu.dma_semaphore, #tpu.memory_space<semaphore_mem>>) src(%dma_wait3A_620 : memref<1024000x16xf32, #tpu.memory_space<hbm>>) dst(%dma_wait3A_615 : memref<128x16xf32, #tpu.memory_space<vmem>>)
    %dma_start3A_621 = arith.constant 128 : i32
    %dma_start3A_622 = arith.constant 0 : i32
    %dma_start3A_623 = tpu.memref_slice %arg7[%dma_start3A_621, %dma_start3A_622] : memref<512x16xf32, #tpu.memory_space<vmem>> -> memref<128x16xf32, #tpu.memory_space<vmem>>
    %dma_start3A_624 = arith.constant 128 : i32
    %dma_start3A_625 = tpu.memref_slice %arg6[%dma_start3A_624] : memref<512xi32, #tpu.memory_space<vmem>> -> memref<128xi32, #tpu.memory_space<vmem>>
    %dma_start3A_626 = arith.constant 0 : i32
    %dma_start3A_627 = arith.constant 0 : i32
    %dma_start3A_628 = tpu.memref_slice %arg3[%dma_start3A_626, %dma_start3A_627] : memref<1024000x16xf32, #tpu.memory_space<hbm>> -> memref<1024000x16xf32, #tpu.memory_space<hbm>>
    tpu.enqueue_indirect_dma source(%dma_start3A_628 : memref<1024000x16xf32, #tpu.memory_space<hbm>>) target(%dma_start3A_623 : memref<128x16xf32, #tpu.memory_space<vmem>>) offsets(%dma_start3A_625 : memref<128xi32, #tpu.memory_space<vmem>>) semaphore(%arg8 : memref<!tpu.dma_semaphore, #tpu.memory_space<semaphore_mem>>)
    %dma_wait3A_629 = arith.constant 128 : i32
    %dma_wait3A_630 = arith.constant 0 : i32
    %dma_wait3A_631 = tpu.memref_slice %arg7[%dma_wait3A_629, %dma_wait3A_630] : memref<512x16xf32, #tpu.memory_space<vmem>> -> memref<128x16xf32, #tpu.memory_space<vmem>>
    %dma_wait3A_632 = arith.constant 128 : i32
    %dma_wait3A_633 = tpu.memref_slice %arg6[%dma_wait3A_632] : memref<512xi32, #tpu.memory_space<vmem>> -> memref<128xi32, #tpu.memory_space<vmem>>
    %dma_wait3A_634 = arith.constant 0 : i32
    %dma_wait3A_635 = arith.constant 0 : i32
    %dma_wait3A_636 = tpu.memref_slice %arg3[%dma_wait3A_634, %dma_wait3A_635] : memref<1024000x16xf32, #tpu.memory_space<hbm>> -> memref<1024000x16xf32, #tpu.memory_space<hbm>>
    tpu.wait_indirect_dma semaphore(%arg8 : memref<!tpu.dma_semaphore, #tpu.memory_space<semaphore_mem>>) src(%dma_wait3A_636 : memref<1024000x16xf32, #tpu.memory_space<hbm>>) dst(%dma_wait3A_631 : memref<128x16xf32, #tpu.memory_space<vmem>>)
    %dma_start3A_637 = arith.constant 256 : i32
    %dma_start3A_638 = arith.constant 0 : i32
    %dma_start3A_639 = tpu.memref_slice %arg7[%dma_start3A_637, %dma_start3A_638] : memref<512x16xf32, #tpu.memory_space<vmem>> -> memref<128x16xf32, #tpu.memory_space<vmem>>
    %dma_start3A_640 = arith.constant 256 : i32
    %dma_start3A_641 = tpu.memref_slice %arg6[%dma_start3A_640] : memref<512xi32, #tpu.memory_space<vmem>> -> memref<128xi32, #tpu.memory_space<vmem>>
    %dma_start3A_642 = arith.constant 0 : i32
    %dma_start3A_643 = arith.constant 0 : i32
    %dma_start3A_644 = tpu.memref_slice %arg3[%dma_start3A_642, %dma_start3A_643] : memref<1024000x16xf32, #tpu.memory_space<hbm>> -> memref<1024000x16xf32, #tpu.memory_space<hbm>>
    tpu.enqueue_indirect_dma source(%dma_start3A_644 : memref<1024000x16xf32, #tpu.memory_space<hbm>>) target(%dma_start3A_639 : memref<128x16xf32, #tpu.memory_space<vmem>>) offsets(%dma_start3A_641 : memref<128xi32, #tpu.memory_space<vmem>>) semaphore(%arg8 : memref<!tpu.dma_semaphore, #tpu.memory_space<semaphore_mem>>)
    %dma_wait3A_645 = arith.constant 256 : i32
    %dma_wait3A_646 = arith.constant 0 : i32
    %dma_wait3A_647 = tpu.memref_slice %arg7[%dma_wait3A_645, %dma_wait3A_646] : memref<512x16xf32, #tpu.memory_space<vmem>> -> memref<128x16xf32, #tpu.memory_space<vmem>>
    %dma_wait3A_648 = arith.constant 256 : i32
    %dma_wait3A_649 = tpu.memref_slice %arg6[%dma_wait3A_648] : memref<512xi32, #tpu.memory_space<vmem>> -> memref<128xi32, #tpu.memory_space<vmem>>
    %dma_wait3A_650 = arith.constant 0 : i32
    %dma_wait3A_651 = arith.constant 0 : i32
    %dma_wait3A_652 = tpu.memref_slice %arg3[%dma_wait3A_650, %dma_wait3A_651] : memref<1024000x16xf32, #tpu.memory_space<hbm>> -> memref<1024000x16xf32, #tpu.memory_space<hbm>>
    tpu.wait_indirect_dma semaphore(%arg8 : memref<!tpu.dma_semaphore, #tpu.memory_space<semaphore_mem>>) src(%dma_wait3A_652 : memref<1024000x16xf32, #tpu.memory_space<hbm>>) dst(%dma_wait3A_647 : memref<128x16xf32, #tpu.memory_space<vmem>>)
    %dma_start3A_653 = arith.constant 384 : i32
    %dma_start3A_654 = arith.constant 0 : i32
    %dma_start3A_655 = tpu.memref_slice %arg7[%dma_start3A_653, %dma_start3A_654] : memref<512x16xf32, #tpu.memory_space<vmem>> -> memref<128x16xf32, #tpu.memory_space<vmem>>
    %dma_start3A_656 = arith.constant 384 : i32
    %dma_start3A_657 = tpu.memref_slice %arg6[%dma_start3A_656] : memref<512xi32, #tpu.memory_space<vmem>> -> memref<128xi32, #tpu.memory_space<vmem>>
    %dma_start3A_658 = arith.constant 0 : i32
    %dma_start3A_659 = arith.constant 0 : i32
    %dma_start3A_660 = tpu.memref_slice %arg3[%dma_start3A_658, %dma_start3A_659] : memref<1024000x16xf32, #tpu.memory_space<hbm>> -> memref<1024000x16xf32, #tpu.memory_space<hbm>>
    tpu.enqueue_indirect_dma source(%dma_start3A_660 : memref<1024000x16xf32, #tpu.memory_space<hbm>>) target(%dma_start3A_655 : memref<128x16xf32, #tpu.memory_space<vmem>>) offsets(%dma_start3A_657 : memref<128xi32, #tpu.memory_space<vmem>>) semaphore(%arg8 : memref<!tpu.dma_semaphore, #tpu.memory_space<semaphore_mem>>)
    %dma_wait3A_661 = arith.constant 384 : i32
    %dma_wait3A_662 = arith.constant 0 : i32
    %dma_wait3A_663 = tpu.memref_slice %arg7[%dma_wait3A_661, %dma_wait3A_662] : memref<512x16xf32, #tpu.memory_space<vmem>> -> memref<128x16xf32, #tpu.memory_space<vmem>>
    %dma_wait3A_664 = arith.constant 384 : i32
    %dma_wait3A_665 = tpu.memref_slice %arg6[%dma_wait3A_664] : memref<512xi32, #tpu.memory_space<vmem>> -> memref<128xi32, #tpu.memory_space<vmem>>
    %dma_wait3A_666 = arith.constant 0 : i32
    %dma_wait3A_667 = arith.constant 0 : i32
    %dma_wait3A_668 = tpu.memref_slice %arg3[%dma_wait3A_666, %dma_wait3A_667] : memref<1024000x16xf32, #tpu.memory_space<hbm>> -> memref<1024000x16xf32, #tpu.memory_space<hbm>>
    tpu.wait_indirect_dma semaphore(%arg8 : memref<!tpu.dma_semaphore, #tpu.memory_space<semaphore_mem>>) src(%dma_wait3A_668 : memref<1024000x16xf32, #tpu.memory_space<hbm>>) dst(%dma_wait3A_663 : memref<128x16xf32, #tpu.memory_space<vmem>>)
    "tpu.region"() ({
      %run_scoped3A = tpu.sem_alloc : memref<!tpu.dma_semaphore, #tpu.memory_space<semaphore_mem>>
      %dma_start3A_669 = arith.constant 0 : i32
      %dma_start3A_670 = tpu.memref_slice %arg4[%mul3A_2, %dma_start3A_669] : memref<16384x16xf32, #tpu.memory_space<hbm>> -> memref<512x16xf32, #tpu.memory_space<hbm>>
      %dma_start3A_671 = arith.constant 0 : i32
      %dma_start3A_672 = tpu.memref_slice %arg4[%mul3A_2, %dma_start3A_671] : memref<16384x16xf32, #tpu.memory_space<hbm>> -> memref<512x16xf32, #tpu.memory_space<hbm>>
      tpu.enqueue_dma source(%arg7 : memref<512x16xf32, #tpu.memory_space<vmem>>) target(%dma_start3A_672 : memref<512x16xf32, #tpu.memory_space<hbm>>) target_semaphore(%run_scoped3A : memref<!tpu.dma_semaphore, #tpu.memory_space<semaphore_mem>>)
      %dma_wait3A_673 = arith.constant 0 : i32
      %dma_wait3A_674 = tpu.memref_slice %arg4[%mul3A_2, %dma_wait3A_673] : memref<16384x16xf32, #tpu.memory_space<hbm>> -> memref<512x16xf32, #tpu.memory_space<hbm>>
      %dma_wait3A_675 = arith.constant 0 : i32
      %dma_wait3A_676 = tpu.memref_slice %arg4[%mul3A_2, %dma_wait3A_675] : memref<16384x16xf32, #tpu.memory_space<hbm>> -> memref<512x16xf32, #tpu.memory_space<hbm>>
      tpu.wait_dma2 semaphore(%run_scoped3A : memref<!tpu.dma_semaphore, #tpu.memory_space<semaphore_mem>>) src(%arg7 : memref<512x16xf32, #tpu.memory_space<vmem>>) dst(%dma_wait3A_676 : memref<512x16xf32, #tpu.memory_space<hbm>>)
      tpu.yield
    }) : () -> ()
    return
  }
}

module attributes {stable_mosaic.version = 14 : i64} {
  func.func @_k1_body(%arg0: i32, %arg1: memref<2048x1000xf32, #tpu.memory_space<vmem>>, %arg2: memref<1x1x2048xi32, #tpu.memory_space<vmem>>, %arg3: memref<1x1x2048xf32, #tpu.memory_space<vmem>>, %arg4: memref<1x1x2048xf32, #tpu.memory_space<vmem>>, %arg5: memref<1x1x2048xf32, #tpu.memory_space<vmem>>) attributes {dimension_semantics = [#tpu.dimension_semantics<arbitrary>], iteration_bounds = array<i64: 8>, scalar_prefetch = 0 : i64, scratch_operands = 0 : i64, tpu.core_type = #tpu.core_type<tc>, window_params = [{transform_indices = @transform_0, window_bounds = array<i64: 2048, 1000>}, {transform_indices = @transform_1, window_bounds = array<i64: 1, 1, 2048>}, {transform_indices = @transform_2, window_bounds = array<i64: 1, 1, 2048>}, {transform_indices = @transform_3, window_bounds = array<i64: 1, 1, 2048>}, {transform_indices = @transform_4, window_bounds = array<i64: 1, 1, 2048>}]} {
    %get3A = arith.constant 0 : index
    %get3A_0 = arith.constant 0 : index
    %get3A_1 = vector.load %arg1[%get3A, %get3A_0] : memref<2048x1000xf32, #tpu.memory_space<vmem>>, vector<2048x1000xf32>
    %get3A_2 = arith.constant 0 : index
    %get3A_3 = arith.constant 0 : index
    %get3A_4 = arith.constant 0 : index
    %get3A_5 = vector.load %arg2[%get3A_2, %get3A_3, %get3A_4] : memref<1x1x2048xi32, #tpu.memory_space<vmem>>, vector<1x1x2048xi32>
    %get3A_6 = vector.shape_cast %get3A_5 : vector<1x1x2048xi32> to vector<2048xi32>
    %iota3A = tpu.iota {dimensions = array<i32: 1>} : vector<2048x1000xi32>
    %broadcast_in_dim3A = vector.shape_cast %get3A_6 : vector<2048xi32> to vector<2048x1xi32>
    %eq3A = vector.broadcast %broadcast_in_dim3A : vector<2048x1xi32> to vector<2048x1000xi32>
    %eq3A_7 = arith.cmpi eq, %iota3A, %eq3A : vector<2048x1000xi32>
    %reduce_max3A = arith.constant dense<0xFF800000> : vector<2048xf32>
    %reduce_max3A_8 = vector.multi_reduction <maximumf>, %get3A_1, %reduce_max3A [1] : vector<2048x1000xf32> to vector<2048xf32>
    %jit3A = arith.constant 0.000000e+00 : f32
    %broadcast_in_dim3A_9 = vector.broadcast %jit3A : f32 to vector<2048x1000xf32>
    %select_n3A = arith.select %eq3A_7, %get3A_1, %broadcast_in_dim3A_9 : vector<2048x1000xi1>, vector<2048x1000xf32>
    %reduce_sum3A = arith.constant dense<0.000000e+00> : vector<2048xf32>
    %reduce_sum3A_10 = vector.multi_reduction <add>, %select_n3A, %reduce_sum3A [1] : vector<2048x1000xf32> to vector<2048xf32>
    %broadcast_in_dim3A_11 = vector.shape_cast %reduce_max3A_8 : vector<2048xf32> to vector<2048x1xf32>
    %sub3A = vector.broadcast %broadcast_in_dim3A_11 : vector<2048x1xf32> to vector<2048x1000xf32>
    %sub3A_12 = arith.subf %get3A_1, %sub3A : vector<2048x1000xf32>
    %exp3A = math.exp %sub3A_12 : vector<2048x1000xf32>
    %reduce_sum3A_13 = arith.constant dense<0.000000e+00> : vector<2048xf32>
    %reduce_sum3A_14 = vector.multi_reduction <add>, %exp3A, %reduce_sum3A_13 [1] : vector<2048x1000xf32> to vector<2048xf32>
    %swap3A = arith.constant 0 : index
    %swap3A_15 = arith.constant 0 : index
    %swap3A_16 = arith.constant 0 : index
    %swap3A_17 = vector.load %arg3[%swap3A, %swap3A_15, %swap3A_16] : memref<1x1x2048xf32, #tpu.memory_space<vmem>>, vector<1x1x2048xf32>
    %swap3A_18 = vector.shape_cast %swap3A_17 : vector<1x1x2048xf32> to vector<2048xf32>
    %swap3A_19 = vector.shape_cast %reduce_max3A_8 : vector<2048xf32> to vector<1x1x2048xf32>
    tpu.vector_store %arg3[%swap3A, %swap3A_15, %swap3A_16], %swap3A_19 {strides = array<i32>} : memref<1x1x2048xf32, #tpu.memory_space<vmem>>, vector<1x1x2048xf32>,
    %swap3A_20 = arith.constant 0 : index
    %swap3A_21 = arith.constant 0 : index
    %swap3A_22 = arith.constant 0 : index
    %swap3A_23 = vector.load %arg4[%swap3A_20, %swap3A_21, %swap3A_22] : memref<1x1x2048xf32, #tpu.memory_space<vmem>>, vector<1x1x2048xf32>
    %swap3A_24 = vector.shape_cast %swap3A_23 : vector<1x1x2048xf32> to vector<2048xf32>
    %swap3A_25 = vector.shape_cast %reduce_sum3A_14 : vector<2048xf32> to vector<1x1x2048xf32>
    tpu.vector_store %arg4[%swap3A_20, %swap3A_21, %swap3A_22], %swap3A_25 {strides = array<i32>} : memref<1x1x2048xf32, #tpu.memory_space<vmem>>, vector<1x1x2048xf32>,
    %swap3A_26 = arith.constant 0 : index
    %swap3A_27 = arith.constant 0 : index
    %swap3A_28 = arith.constant 0 : index
    %swap3A_29 = vector.load %arg5[%swap3A_26, %swap3A_27, %swap3A_28] : memref<1x1x2048xf32, #tpu.memory_space<vmem>>, vector<1x1x2048xf32>
    %swap3A_30 = vector.shape_cast %swap3A_29 : vector<1x1x2048xf32> to vector<2048xf32>
    %swap3A_31 = vector.shape_cast %reduce_sum3A_10 : vector<2048xf32> to vector<1x1x2048xf32>
    tpu.vector_store %arg5[%swap3A_26, %swap3A_27, %swap3A_28], %swap3A_31 {strides = array<i32>} : memref<1x1x2048xf32, #tpu.memory_space<vmem>>, vector<1x1x2048xf32>,
    return
  }
  func.func @transform_0(%arg0: i32) -> (i32, i32) {
    %c0_i32 = arith.constant 0 : i32
    %c0_i32_0 = arith.constant 0 : i32
    return %arg0, %c0_i32 : i32, i32
  }
  func.func @transform_1(%arg0: i32) -> (i32, i32, i32) {
    %c0_i32 = arith.constant 0 : i32
    %c0_i32_0 = arith.constant 0 : i32
    %c0_i32_1 = arith.constant 0 : i32
    return %arg0, %c0_i32, %c0_i32_0 : i32, i32, i32
  }
  func.func @transform_2(%arg0: i32) -> (i32, i32, i32) {
    %c0_i32 = arith.constant 0 : i32
    %c0_i32_0 = arith.constant 0 : i32
    %c0_i32_1 = arith.constant 0 : i32
    return %arg0, %c0_i32, %c0_i32_0 : i32, i32, i32
  }
  func.func @transform_3(%arg0: i32) -> (i32, i32, i32) {
    %c0_i32 = arith.constant 0 : i32
    %c0_i32_0 = arith.constant 0 : i32
    %c0_i32_1 = arith.constant 0 : i32
    return %arg0, %c0_i32, %c0_i32_0 : i32, i32, i32
  }
  func.func @transform_4(%arg0: i32) -> (i32, i32, i32) {
    %c0_i32 = arith.constant 0 : i32
    %c0_i32_0 = arith.constant 0 : i32
    %c0_i32_1 = arith.constant 0 : i32
    return %arg0, %c0_i32, %c0_i32_0 : i32, i32, i32
  }
}

module attributes {stable_mosaic.version = 14 : i64} {
  func.func @_k2_body(%arg0: i32, %arg1: memref<1x1x2048xf32, #tpu.memory_space<vmem>>, %arg2: memref<1x1x2048xf32, #tpu.memory_space<vmem>>, %arg3: memref<1x1x2048xf32, #tpu.memory_space<vmem>>, %arg4: memref<1x1x2048xi32, #tpu.memory_space<vmem>>, %arg5: memref<2048x16xf32, #tpu.memory_space<vmem>>, %arg6: memref<1x1xf32, #tpu.memory_space<vmem>>) attributes {dimension_semantics = [#tpu.dimension_semantics<arbitrary>], iteration_bounds = array<i64: 8>, scalar_prefetch = 0 : i64, scratch_operands = 0 : i64, tpu.core_type = #tpu.core_type<tc>, window_params = [{transform_indices = @transform_0, window_bounds = array<i64: 1, 1, 2048>}, {transform_indices = @transform_1, window_bounds = array<i64: 1, 1, 2048>}, {transform_indices = @transform_2, window_bounds = array<i64: 1, 1, 2048>}, {transform_indices = @transform_3, window_bounds = array<i64: 1, 1, 2048>}, {transform_indices = @transform_4, window_bounds = array<i64: 2048, 16>}, {pipeline_mode = #tpu.pipeline_mode<synchronous>, transform_indices = @transform_5, window_bounds = array<i64: 1, 1>}]} {
    %get3A = arith.constant 0 : index
    %get3A_0 = arith.constant 0 : index
    %get3A_1 = arith.constant 0 : index
    %get3A_2 = vector.load %arg1[%get3A, %get3A_0, %get3A_1] : memref<1x1x2048xf32, #tpu.memory_space<vmem>>, vector<1x1x2048xf32>
    %get3A_3 = vector.shape_cast %get3A_2 : vector<1x1x2048xf32> to vector<2048xf32>
    %get3A_4 = arith.constant 0 : index
    %get3A_5 = arith.constant 0 : index
    %get3A_6 = arith.constant 0 : index
    %get3A_7 = vector.load %arg2[%get3A_4, %get3A_5, %get3A_6] : memref<1x1x2048xf32, #tpu.memory_space<vmem>>, vector<1x1x2048xf32>
    %get3A_8 = vector.shape_cast %get3A_7 : vector<1x1x2048xf32> to vector<2048xf32>
    %get3A_9 = arith.constant 0 : index
    %get3A_10 = arith.constant 0 : index
    %get3A_11 = arith.constant 0 : index
    %get3A_12 = vector.load %arg3[%get3A_9, %get3A_10, %get3A_11] : memref<1x1x2048xf32, #tpu.memory_space<vmem>>, vector<1x1x2048xf32>
    %get3A_13 = vector.shape_cast %get3A_12 : vector<1x1x2048xf32> to vector<2048xf32>
    %get3A_14 = arith.constant 0 : index
    %get3A_15 = arith.constant 0 : index
    %get3A_16 = arith.constant 0 : index
    %get3A_17 = vector.load %arg4[%get3A_14, %get3A_15, %get3A_16] : memref<1x1x2048xi32, #tpu.memory_space<vmem>>, vector<1x1x2048xi32>
    %get3A_18 = vector.shape_cast %get3A_17 : vector<1x1x2048xi32> to vector<2048xi32>
    %get3A_19 = arith.constant 0 : index
    %get3A_20 = arith.constant 0 : index
    %get3A_21 = vector.load %arg5[%get3A_19, %get3A_20] : memref<2048x16xf32, #tpu.memory_space<vmem>>, vector<2048x16xf32>
    %mul3A = arith.constant 2048 : i32
    %mul3A_22 = arith.muli %arg0, %mul3A : i32
    %iota3A = tpu.iota {dimensions = array<i32: 0>} : vector<2048x16xi32>
    %add3A = vector.broadcast %mul3A_22 : i32 to vector<2048x16xi32>
    %add3A_23 = arith.addi %add3A, %iota3A : vector<2048x16xi32>
    %mul3A_24 = arith.constant 1000 : i32
    %mul3A_25 = vector.broadcast %mul3A_24 : i32 to vector<2048x16xi32>
    %mul3A_26 = arith.muli %add3A_23, %mul3A_25 : vector<2048x16xi32>
    %broadcast_in_dim3A = vector.shape_cast %get3A_18 : vector<2048xi32> to vector<2048x1xi32>
    %add3A_27 = vector.broadcast %broadcast_in_dim3A : vector<2048x1xi32> to vector<2048x16xi32>
    %add3A_28 = arith.addi %mul3A_26, %add3A_27 : vector<2048x16xi32>
    %and3A = arith.constant 15 : i32
    %and3A_29 = vector.broadcast %and3A : i32 to vector<2048x16xi32>
    %and3A_30 = arith.andi %add3A_28, %and3A_29 : vector<2048x16xi32>
    %iota3A_31 = tpu.iota {dimensions = array<i32: 1>} : vector<2048x16xi32>
    %eq3A = arith.cmpi eq, %iota3A_31, %and3A_30 : vector<2048x16xi32>
    %jit3A = arith.constant 0.000000e+00 : f32
    %broadcast_in_dim3A_32 = vector.broadcast %jit3A : f32 to vector<2048x16xf32>
    %select_n3A = arith.select %eq3A, %get3A_21, %broadcast_in_dim3A_32 : vector<2048x16xi1>, vector<2048x16xf32>
    %reduce_sum3A = arith.constant dense<0.000000e+00> : vector<2048xf32>
    %reduce_sum3A_33 = vector.multi_reduction <add>, %select_n3A, %reduce_sum3A [1] : vector<2048x16xf32> to vector<2048xf32>
    %max3A = arith.maximumf %get3A_3, %reduce_sum3A_33 : vector<2048xf32>
    %sub3A = arith.subf %get3A_3, %max3A : vector<2048xf32>
    %exp3A = math.exp %sub3A : vector<2048xf32>
    %mul3A_34 = arith.mulf %get3A_8, %exp3A : vector<2048xf32>
    %sub3A_35 = arith.subf %get3A_13, %max3A : vector<2048xf32>
    %exp3A_36 = math.exp %sub3A_35 : vector<2048xf32>
    %sub3A_37 = arith.subf %mul3A_34, %exp3A_36 : vector<2048xf32>
    %sub3A_38 = arith.subf %reduce_sum3A_33, %max3A : vector<2048xf32>
    %exp3A_39 = math.exp %sub3A_38 : vector<2048xf32>
    %add3A_40 = arith.addf %sub3A_37, %exp3A_39 : vector<2048xf32>
    %log3A = math.log %add3A_40 : vector<2048xf32>
    %add3A_41 = arith.addf %max3A, %log3A : vector<2048xf32>
    %sub3A_42 = arith.subf %add3A_41, %reduce_sum3A_33 : vector<2048xf32>
    %eq3A_43 = arith.constant 0 : i32
    %eq3A_44 = arith.cmpi eq, %arg0, %eq3A_43 : i32
    %convert_element_type3A = arith.extui %eq3A_44 : i1 to i32
    %cond3A = arith.constant 0 : i32
    %cond3A_45 = arith.cmpi ne, %convert_element_type3A, %cond3A : i32
    scf.if %cond3A_45 {
      %broadcast_in_dim3A_57 = arith.constant 0.000000e+00 : f32
      %broadcast_in_dim3A_58 = vector.broadcast %broadcast_in_dim3A_57 : f32 to vector<1x1xf32>
      %swap3A_59 = arith.constant 0 : index
      %swap3A_60 = arith.constant 0 : index
      %swap3A_61 = vector.load %arg6[%swap3A_59, %swap3A_60] : memref<1x1xf32, #tpu.memory_space<vmem>>, vector<1x1xf32>
      tpu.vector_store %arg6[%swap3A_59, %swap3A_60], %broadcast_in_dim3A_58 {strides = array<i32>} : memref<1x1xf32, #tpu.memory_space<vmem>>, vector<1x1xf32>,
    } else {
    }
    %get3A_46 = arith.constant 0 : index
    %get3A_47 = arith.constant 0 : index
    %get3A_48 = vector.load %arg6[%get3A_46, %get3A_47] : memref<1x1xf32, #tpu.memory_space<vmem>>, vector<1x1xf32>
    %reduce_sum3A_49 = vector.shape_cast %sub3A_42 : vector<2048xf32> to vector<1x2048xf32>
    %reduce_sum3A_50 = arith.constant dense<0.000000e+00> : vector<1xf32>
    %reduce_sum3A_51 = vector.multi_reduction <add>, %reduce_sum3A_49, %reduce_sum3A_50 [1] : vector<1x2048xf32> to vector<1xf32>
    %reduce_sum3A_52 = vector.shape_cast %reduce_sum3A_51 : vector<1xf32> to vector<1x1xf32>
    %reduce_sum3A_53 = vector.extract %reduce_sum3A_52[0, 0] : f32 from vector<1x1xf32>
    %reshape3A = vector.broadcast %reduce_sum3A_53 : f32 to vector<1x1xf32>
    %add3A_54 = arith.addf %get3A_48, %reshape3A : vector<1x1xf32>
    %swap3A = arith.constant 0 : index
    %swap3A_55 = arith.constant 0 : index
    %swap3A_56 = vector.load %arg6[%swap3A, %swap3A_55] : memref<1x1xf32, #tpu.memory_space<vmem>>, vector<1x1xf32>
    tpu.vector_store %arg6[%swap3A, %swap3A_55], %add3A_54 {strides = array<i32>} : memref<1x1xf32, #tpu.memory_space<vmem>>, vector<1x1xf32>,
    return
  }
  func.func @transform_0(%arg0: i32) -> (i32, i32, i32) {
    %c0_i32 = arith.constant 0 : i32
    %c0_i32_0 = arith.constant 0 : i32
    %c0_i32_1 = arith.constant 0 : i32
    return %arg0, %c0_i32, %c0_i32_0 : i32, i32, i32
  }
  func.func @transform_1(%arg0: i32) -> (i32, i32, i32) {
    %c0_i32 = arith.constant 0 : i32
    %c0_i32_0 = arith.constant 0 : i32
    %c0_i32_1 = arith.constant 0 : i32
    return %arg0, %c0_i32, %c0_i32_0 : i32, i32, i32
  }
  func.func @transform_2(%arg0: i32) -> (i32, i32, i32) {
    %c0_i32 = arith.constant 0 : i32
    %c0_i32_0 = arith.constant 0 : i32
    %c0_i32_1 = arith.constant 0 : i32
    return %arg0, %c0_i32, %c0_i32_0 : i32, i32, i32
  }
  func.func @transform_3(%arg0: i32) -> (i32, i32, i32) {
    %c0_i32 = arith.constant 0 : i32
    %c0_i32_0 = arith.constant 0 : i32
    %c0_i32_1 = arith.constant 0 : i32
    return %arg0, %c0_i32, %c0_i32_0 : i32, i32, i32
  }
  func.func @transform_4(%arg0: i32) -> (i32, i32) {
    %c0_i32 = arith.constant 0 : i32
    %c0_i32_0 = arith.constant 0 : i32
    return %arg0, %c0_i32 : i32, i32
  }
  func.func @transform_5(%arg0: i32) -> (i32, i32) {
    %c0_i32 = arith.constant 0 : i32
    %c0_i32_0 = arith.constant 0 : i32
    %c0_i32_1 = arith.constant 0 : i32
    return %c0_i32, %c0_i32_0 : i32, i32
  }
}

</mosaic_0001>

<sc_bundles>
// kernel: kernel.5.cloned.1.call-start
scs
__scs_entry_jumppad:
0x0: {  	(pc) =	sbr.rel $0x88, $3  }
0x1: {  	(tag) =	ssettag $0x0;
	lr =	simm.s32 $0x1  }
0x2: {  	[smem:$0x3F9E] =	sst lr;
	_ =	strace $0xD0000000  }
0x3: {  	_ = 	snop  }
0x4: {  	_ = 	snop  }
0x5: {  	_ = 	snop  }
0x6: {  	_ = 	snop  }
0x7: {  	_ = 	snop  }
__scs_overlays_trampoline_lowered:
0x8: {  	[smem:$0x3FAD] =	sst s0  }
0x9: {  	[smem:$0x3FAE] =	sst s1  }
0xa: {  	[smem:$0x3FAF] =	sst s2  }
0xb: {  	[smem:$0x3FB0] =	sst s3  }
0xc: {  	[smem:$0x3FB1] =	sst s4  }
0xd: {  	[smem:$0x3FB2] =	sst s5  }
0xe: {  	[smem:$0x3FB3] =	sst s6  }
0xf: {  	[smem:$0x3FB4] =	sst s7  }
0x10: {  	[smem:$0x3FB5] =	sst s8  }
0x11: {  	[smem:$0x3FB6] =	sst s9;
	s0 =	simm.s32 @!p0 $0x0  }
0x12: {  	s1 =	sld [smem:$0x3F9C];
	s0 =	simm.s32 @p0 $0x1  }
0x13: {  	[smem:$0x3FB7] =	sst s0;
	s0 =	simm.s32 @!p1 $0x0  }
0x14: {  	s2 =	sld [smem:$0x3F9B];
	s0 =	simm.s32 @p1 $0x1  }
0x15: {  	[smem:$0x3FB8] =	sst s0;
	s0 =	simm.s32 @!p2 $0x0  }
0x16: {  	s3 =	sld [smem:$0x3FDB];
	s0 =	simm.s32 @p2 $0x1  }
0x17: {  	s4 =	simm.s32 $0x1BF5;
	[smem:$0x3FBA] =	sst s0  }
0x18: {  	s0 =	sld [smem:$0x3F9D];
	_ =	swait.ge [sflag:s4], $0x0  }
0x19: {  	s7 =	sld [smem:$0x3F9E]  }
0x1a: {  	s8 =	sadd.s32 $0xFFFFE003, lr  }
0x1b: {  	s9 =	sadd.s32 $0xFFFFFEF7, lr;
	s5 =	simm.s32 $0xFFFFFFFF;
	p2 =	slt.u32 s8, $0xFFFFF086  }
0x1c: {  	p1 =	slt.u32 s9, $0xF7A;
	s5 =	simm.s32 @!p2 $0x0  }
0x1d: {  	s5 =	simm.s32 @p1 $0x1;
	p0 =	seq.s32 s7, s2  }
0x1e: {  	s7 =	smul.u32 @!p0 $0xF7A, s2;
	p2 =	seq.s32 @!p0 s5, $0x0  }
0x1f: {  	s9 =	smul.u32 $0xF7A, s1;
	s8 =	simm.s32 @!p0 $0x1BF5;
	p2 =	por !p2, p0  }
0x20: {  	[sflag:s8] =	ssyncset.s32 @!p0 $0xFFFFF086;
	s6 =	sadd.s32 @!p0 s3, s7;
	s7 =	simm.s32 @!p0 $0x108  }
0x21: {  	s3 =	sadd.s32 s3, s9;
	s6 =	sadd.s32 @!p0 $0x88, s6;
	s7 =	simm.s32 @p2 $0x1082  }
0x22: {  	[simem:s7], [sflag:s8] =	dma.local @!p0 [hbm:s6], $0xF7A  }
0x23: {  	s9 =	sor.u32 $0xD0000000, s2;
	s6 =	simm.s32 $0x108;
	_ =	swait.ge @!p0 [sflag:s8], $0x0  }
0x24: {  	s3 =	sadd.s32 $0x88, s3;
	s6 =	simm.s32 @!p1 $0x1082;
	[sflag:s4] =	ssyncset.s32 $0xFFFFF086  }
0x25: {  	[simem:s6], [sflag:s4] =	dma.local [hbm:s3], $0xF7A  }
0x26: {  	[smem:$0x3F9E] =	sst s1;
	(tag) =	ssettag s2;
	_ =	strace s9  }
0x27: {  	s1 =	sld [smem:$0x3FAE]  }
0x28: {  	s2 =	sld [smem:$0x3FAF]  }
0x29: {  	s4 =	sld [smem:$0x3FB1]  }
0x2a: {  	p0 =	seq.s32 s5, $0x0;
	s5 =	sld [smem:$0x3FB2]  }
0x2b: {  	s6 =	sld [smem:$0x3FB3]  }
0x2c: {  	s7 =	sld [smem:$0x3FB4]  }
0x2d: {  	s3 =	simm.s32 $0x108;
	s8 =	sld [smem:$0x3FB5]  }
0x2e: {  	s3 =	simm.s32 @!p0 $0x1082;
	s9 =	sld [smem:$0x3FB6]  }
0x2f: {  	lr =	sadd.s32 s0, s3;
	s0 =	sld [smem:$0x3FAD]  }
0x30: {  	s3 =	sld [smem:$0x3FB0]  }
0x31: {  	[smem:$0x3FB9] =	sst s10  }
0x32: {  	s10 =	sld [smem:$0x3FB7];
	_ =	sdelay $0x3  }
0x33: {  	p0 =	seq.s32 s10, $0x1;
	s10 =	sld [smem:$0x3FB9];
	_ =	sdelay $0x3  }
0x34: {  	[smem:$0x3FB9] =	sst s10  }
0x35: {  	s10 =	sld [smem:$0x3FB8];
	_ =	sdelay $0x3  }
0x36: {  	p1 =	seq.s32 s10, $0x1;
	s10 =	sld [smem:$0x3FB9];
	_ =	sdelay $0x3  }
0x37: {  	[smem:$0x3FB9] =	sst s10  }
0x38: {  	s10 =	sld [smem:$0x3FBA]  }
0x39: {  	_ = 	snop;
	(pc) =	sbr.ind lr, $3  }
0x3a: {  	_ = 	snop  }
0x3b: {  	_ = 	snop  }
0x3c: {  	p2 =	seq.s32 s10, $0x1;
	s10 =	sld [smem:$0x3FB9]  }
0x3d: {  	_ =	shalt  }
0x3e: {  	_ =	shalt  }
0x3f: {  	_ =	shalt  }
0x40: {  	_ =	shalt  }
0x41: {  	_ =	shalt  }
0x42: {  	_ =	shalt  }
0x43: {  	_ =	shalt  }
0x44: {  	_ =	shalt  }
0x45: {  	_ =	shalt  }
0x46: {  	_ =	shalt  }
0x47: {  	_ =	shalt  }
0x48: {  	_ =	shalt  }
0x49: {  	_ =	shalt  }
0x4a: {  	_ =	shalt  }
0x4b: {  	_ =	shalt  }
0x4c: {  	_ =	shalt  }
0x4d: {  	_ =	shalt  }
0x4e: {  	_ =	shalt  }
0x4f: {  	_ =	shalt  }
0x50: {  	_ =	shalt  }
0x51: {  	_ =	shalt  }
0x52: {  	_ =	shalt  }
0x53: {  	_ =	shalt  }
0x54: {  	_ =	shalt  }
0x55: {  	_ =	shalt  }
0x56: {  	_ =	shalt  }
0x57: {  	_ =	shalt  }
0x58: {  	_ =	shalt  }
0x59: {  	_ =	shalt  }
0x5a: {  	_ =	shalt  }
0x5b: {  	_ =	shalt  }
0x5c: {  	_ =	shalt  }
0x5d: {  	_ =	shalt  }
0x5e: {  	_ =	shalt  }
0x5f: {  	_ =	shalt  }
0x60: {  	_ =	shalt  }
0x61: {  	_ =	shalt  }
0x62: {  	_ =	shalt  }
0x63: {  	_ =	shalt  }
0x64: {  	_ =	shalt  }
0x65: {  	_ =	shalt  }
0x66: {  	_ =	shalt  }
0x67: {  	_ =	shalt  }
0x68: {  	_ =	shalt  }
0x69: {  	_ =	shalt  }
0x6a: {  	_ =	shalt  }
0x6b: {  	_ =	shalt  }
0x6c: {  	_ =	shalt  }
0x6d: {  	_ =	shalt  }
0x6e: {  	_ =	shalt  }
0x6f: {  	_ =	shalt  }
0x70: {  	_ =	shalt  }
0x71: {  	_ =	shalt  }
0x72: {  	_ =	shalt  }
0x73: {  	_ =	shalt  }
0x74: {  	_ =	shalt  }
0x75: {  	_ =	shalt  }
0x76: {  	_ =	shalt  }
0x77: {  	_ =	shalt  }
0x78: {  	_ =	shalt  }
0x79: {  	_ =	shalt  }
0x7a: {  	_ =	shalt  }
0x7b: {  	_ =	shalt  }
0x7c: {  	_ =	shalt  }
0x7d: {  	_ =	shalt  }
0x7e: {  	_ =	shalt  }
0x7f: {  	_ =	shalt  }
0x80: {  	_ =	shalt  }
0x81: {  	_ =	shalt  }
0x82: {  	_ =	shalt  }
0x83: {  	_ =	shalt  }
0x84: {  	_ =	shalt  }
0x85: {  	_ =	shalt  }
0x86: {  	_ =	shalt  }
0x87: {  	_ =	shalt  }
.Lfunc_end0:
.L_simem_size_0:
called_computation_lowered:
.L_overlay_start_0:
0x88: {  	s2 =	sld [smem:$0x3FD9]  }
0x89: {  	s3 =	sld [smem:$0x3FFE];
	_ =	sdelay $0x1  }
0x8a: {  	s1 =	srdreg.scid  }
0x8b: {  	s0 =	sand.u32 $0x1, s1  }
0x8c: {  	s17 =	sshll.u32 s0, $0xA;
	s2 =	sadd.s32 s3, s2  }
0x8d: {  	s2 =	sadd.s32 s2, s17  }
0x8e: {  	[smem:$0x3FC5] =	sst s2  }
0x8f: {  	_ = 	snop  }
0x90: {  	s2 =	sld [smem:$0x3FC7];
	(tm) =	ssettm $0x1  }
0x91: {  	s18 =	sld [smem:$0x3FFB];
	_ =	sdelay $0x3  }
0x92: {  	_ =	strace s18  }
0x93: {  	s3 =	sld [smem:$0x3FFC];
	_ =	sdelay $0x3  }
0x94: {  	_ =	strace s3  }
0x95: {  	s3 =	sld [smem:$0x3FFD];
	_ =	sdelay $0x3  }
0x96: {  	_ =	strace s3  }
0x97: {  	_ =	strace $0x8FFFFFFF  }
0x98: {  	s19 =	sld [smem:$0x3FDB];
	_ =	sdelay $0x1  }
0x99: {  	s4 =	simm.s32 $_scs_section_size  }
0x9a: {  	s5 =	simm.s32 $_size__tile_overlayer_lowered;
	s6 =	simm.s32 $_tile_overlayer_lowered  }
0x9b: {  	s22 =	simm.s32 $0x1BFF;
	s21 =	sshll.u32 s6, $0x1;
	s3 =	sadd.s32 s4, s19  }
0x9c: {  	s7 =	simm.s32 $0x0;
	s20 =	sshll.u32 s5, $0x1;
	s5 =	sadd.s32 s21, s3  }
0x9d: {  	[timem:s7], [sflag:s22] =	dma.local [hbm:s5], s20  }
0x9e: {  	_ =	swait.ge [sflag:s22], s20  }
0x9f: {  	s4 =	ssub.s32 $0x0, s20;
	[sflag:s22] =	ssyncset.done $0x0  }
0xa0: {  	[sflag:s22] =	ssyncadd.s32 s4;
	_ =	sdelay $0x1  }
0xa1: {  	s23 =	simm.s32 $0x1B8B  }
0xa2: {  	_ =	swait.ge [sflag:s23], $0x1  }
0xa3: {  	[sflag:s23] =	ssyncset.done $0x0  }
0xa4: {  	s25 =	simm.s32 $0x1B8E;
	s24 =	sld [smem:$0x3FFE];
	[sflag:s23] =	ssyncadd.s32 $0xFFFFFFFF  }
0xa5: {  	s26 =	simm.s32 $execute0_lowered;
	[smem:$0x3FD2] =	sst s25  }
0xa6: {  	s5 =	sshll.u32 s26, $0x1;
	_ =	strace $0x80000046;
	[dreg:$0x1] =	wrdreg $0xFFFFFFFF  }
0xa7: {  	s28 =	simm.s32 $_size_execute0_lowered;
	s3 =	sadd.s32 s3, s5;
	[dreg:$0x0] =	wrdreg $0x0  }
0xa8: {  	s5 =	sshll.u32 s28, $0x1;
	[dreg:$0x2] =	wrdreg s3  }
0xa9: {  	[dreg:$0x3] =	wrdreg s5  }
0xaa: {  	[dreg:$0x4] =	wrdreg $0xC0  }
0xab: {  	_ =	task [dreg:s7], $0x5FFFF  }
0xac: {  	[dreg:$0x1] =	wrdreg $0xFFFFFFFF  }
0xad: {  	[dreg:$0x0] =	wrdreg $0x60  }
0xae: {  	[dreg:$0x2] =	wrdreg s2  }
0xaf: {  	[dreg:$0x3] =	wrdreg s24  }
0xb0: {  	[dreg:$0x4] =	wrdreg $0x9  }
0xb1: {  	_ =	task.clear_ibuf [dreg:s7], $0x5FFFF;
	_ =	strace $0x90000046  }
0xb2: {  	s29 =	simm.s32 $0x9;
	_ =	strace $0x80000048  }
0xb3: {  	_ =	swait.ge [sflag:s29], $0x1  }
0xb4: {  	[sflag:s29] =	ssyncadd.s32 $0xFFFFFFFF  }
0xb5: {  	_ =	strace $0x90000048  }
0xb6: {  	_ =	sfence  }
0xb7: {  	s30 =	sld [smem:$0x0];
	_ =	sdelay $0x2  }
0xb8: {  	s31 =	sshll.u32 s1, $0xD;
	s1 =	sshrl.u32 s1, $0x2  }
0xb9: {  	s3 =	sand.u32 $0x4000, s31;
	s1 =	sadd.s32 s1, s30  }
0xba: {  	s0 =	sor.u32 s3, s0;
	s1 =	sshll.u32 s1, $0x11  }
0xbb: {  	s0 =	sor.u32 s1, s0  }
0xbc: {  	s0 =	sadd.s32 $0x8F2B, s0  }
0xbd: {  	[sflag:s0] =	ssyncadd.remote.s32 $0x1  }
0xbe: {  	_ =	sfence.sel $0xFFFF  }
0xbf: {  	[dreg:$0x0] =	wrdreg $0xFFFFFFFF;
	(pc) =	sbr.abs _section_cstart, $3  }
0xc0: {  	[dreg:$0x1] =	wrdreg $0xFFFFFFFF  }
0xc1: {  	_ =	task.clear_ibuf [dreg:s7], $0x2FFFF;
	_ =	strace $0x9FFFFFFF  }
0xc2: {  	(tm) =	ssettm $0x7FFFFFFF  }
0xc3: {  	_ =	shalt  }
tec
execute0_lowered:
.L_overlay_start_1:
0x0: {  	(tag) =	ssettag $0x1  }
0x1: {  	s1 =	srdreg.scid  }
0x2: {  	s0 =	stileid.u32;
	s5 =	sand.u32 $0x1, s1  }
0x3: {  	s31 =	sshll.u32 s0, $0xA;
	s2 =	sshll.u32 s5, $0x9  }
0x4: {  	s4 =	sor.u32 s2, s31  }
0x5: {  	v3 =	vlaneseq.u32;
	s1 =	sor.u32 $0x10, s4  }
0x6: {  	v26 =	vmul.u32 $0x3E8, v3;
	v0 =	vmov s4;
	s2 =	sor.u32 $0x20, s4;
	s3 =	sor.u32 $0x30, s4;
	v1 =	vmov s1  }
0x7: {  	s6 =	sor.u32 $0x50, s4;
	s8 =	sor.u32 $0x70, s4;
	s9 =	sor.u32 $0x80, s4;
	v0 =	vmul.u32 $0x3E8, v0;
	v2 =	vmov s2;
	v3 =	vmov s3  }
0x8: {  	s12 =	sor.u32 $0xB0, s4;
	s15 =	sor.u32 $0xE0, s4;
	s16 =	sor.u32 $0xF0, s4;
	v5 =	vmov s6;
	v6 =	vmov s8;
	v8 =	vmov s9  }
0x9: {  	s17 =	sor.u32 $0x100, s4;
	s18 =	sor.u32 $0x110, s4;
	s25 =	sor.u32 $0x1A0, s4;
	v13 =	vmov s12;
	v14 =	vmov s15;
	v15 =	vmov s16  }
0xa: {  	s29 =	sor.u32 $0x1D0, s4;
	s31 =	sor.u32 $0x1E0, s4;
	v16 =	vmov s17;
	v17 =	vmov s18;
	v28 =	vmov s25  }
0xb: {  	s2 =	sor.u32 $0x40, s4;
	v30 =	vmov s29;
	v31 =	vmov s31;
	v1 =	vmul.u32 $0x3E8, v1  }
0xc: {  	v2 =	vmul.u32 $0x3E8, v2;
	v4 =	vmov s2;
	v3 =	vmul.u32 $0x3E8, v3  }
0xd: {  	s8 =	sor.u32 $0x190, s4;
	v5 =	vmul.u32 $0x3E8, v5;
	v6 =	vmul.u32 $0x3E8, v6;
	v14 =	vmul.u32 $0x3E8, v14  }
0xe: {  	v15 =	vmul.u32 $0x3E8, v15;
	v25 =	vmov s8;
	v30 =	vmul.u32 $0x3E8, v30  }
0xf: {  	v31 =	vmul.u32 $0x3E8, v31;
	v0 =	vbroadcast v0, $0x0;
	v1 =	vbroadcast v1, $0x0  }
0x10: {  	v4 =	vmul.u32 $0x3E8, v4;
	v2 =	vbroadcast v2, $0x0;
	v5 =	vbroadcast v5, $0x0  }
0x11: {  	v25 =	vmul.u32 $0x3E8, v25;
	v6 =	vbroadcast v6, $0x0;
	v14 =	vbroadcast v14, $0x0  }
0x12: {  	v16 =	vmul.u32 $0x3E8, v16;
	v34 =	vbroadcast v30, $0x0;
	v31 =	vbroadcast v31, $0x0  }
0x13: {  	s7 =	sor.u32 $0x60, s4;
	s10 =	sor.u32 $0x90, s4;
	v0 =	vadd.s32 v26, v0;
	v4 =	vbroadcast v4, $0x0;
	v25 =	vbroadcast v25, $0x0  }
0x14: {  	s11 =	sor.u32 $0xA0, s4;
	s13 =	sor.u32 $0xC0, s4;
	s14 =	sor.u32 $0xD0, s4;
	v1 =	vadd.s32 v26, v1;
	v10 =	vadd.s32 v26, v2;
	v2 =	vbroadcast v3, $0x0  }
0x15: {  	s19 =	sor.u32 $0x120, s4;
	s20 =	sor.u32 $0x130, s4;
	s21 =	sor.u32 $0x140, s4;
	v3 =	vmov s7;
	v12 =	vadd.s32 v26, v5;
	v5 =	vmov s10  }
0x16: {  	s22 =	sor.u32 $0x150, s4;
	s23 =	sor.u32 $0x160, s4;
	s24 =	sor.u32 $0x170, s4;
	v18 =	vadd.s32 v26, v14;
	v14 =	vbroadcast v15, $0x0;
	v15 =	vbroadcast v16, $0x0  }
0x17: {  	s26 =	sshll.u32 s4, $0x1;
	s30 =	sshrl.u32 s4, $0x3;
	s3 =	sor.u32 $0x180, s4;
	v16 =	vmov s19;
	v31 =	vadd.s32 v26, v31;
	v7 =	vmul.u32 $0x3E8, v3  }
0x18: {  	s9 =	sor.u32 $0x1B0, s4;
	s10 =	sor.u32 $0x1C0, s4;
	s4 =	sor.u32 $0x1F0, s4;
	v9 =	vadd.s32 v26, v4;
	v11 =	vmul.u32 $0x3E8, v5;
	v16 =	vmul.u32 $0x3E8, v16  }
0x19: {  	v29 =	vmov s10;
	v32 =	vmov s4;
	v3 =	vadd.s32 v26, v2  }
0x1a: {  	v2 =	vmul.u32 $0x3E8, v8;
	v8 =	vadd.s32 v26, v6;
	v19 =	vadd.s32 v26, v14  }
0x1b: {  	v21 =	vadd.s32 v26, v15;
	v29 =	vmul.u32 $0x3E8, v29;
	v32 =	vmul.u32 $0x3E8, v32  }
0x1c: {  	v4 =	vbroadcast v7, $0x0;
	v6 =	vbroadcast v11, $0x0;
	v11 =	vmov s13  }
0x1d: {  	v7 =	vmov s11;
	v2 =	vbroadcast v2, $0x0;
	v11 =	vmul.u32 $0x3E8, v11  }
0x1e: {  	v7 =	vmul.u32 $0x3E8, v7;
	v33 =	vbroadcast v29, $0x0;
	v29 =	vadd.s32 v26, v25  }
0x1f: {  	v32 =	vbroadcast v32, $0x0;
	v5 =	vadd.s32 v26, v4;
	v11 =	vbroadcast v11, $0x0  }
0x20: {  	v4 =	vmul.u32 $0x3E8, v13;
	v13 =	vmov s14;
	v6 =	vadd.s32 v26, v6  }
0x21: {  	v2 =	vadd.s32 v26, v2;
	v20 =	vadd.s32 v26, v11;
	v11 =	vmul.u32 $0x3E8, v17  }
0x22: {  	v7 =	vbroadcast v7, $0x0;
	v13 =	vmul.u32 $0x3E8, v13;
	v17 =	vmov s20  }
0x23: {  	v22 =	vmul.u32 $0x3E8, v17;
	v17 =	vmov s21;
	v11 =	vbroadcast v11, $0x0  }
0x24: {  	v30 =	vadd.s32 v26, v33;
	v4 =	vbroadcast v4, $0x0;
	v14 =	vmul.u32 $0x3E8, v17  }
0x25: {  	v15 =	vbroadcast v22, $0x0;
	v22 =	vmov s23;
	v17 =	vadd.s32 v26, v11  }
0x26: {  	s5 =	ssub.s32 $0x2, s5;
	v11 =	vbroadcast v16, $0x0;
	v14 =	vbroadcast v14, $0x0;
	v16 =	vmov s22  }
0x27: {  	s28 =	sshrl.u32 s5, $0x1;
	v23 =	vmul.u32 $0x3E8, v22;
	v22 =	vmov s24;
	v16 =	vmul.u32 $0x3E8, v16  }
0x28: {  	p0 =	por $0x0, $0x0;
	s5 =	ssub.s32 s5, s28;
	s6 =	rddreg [dreg:$0x0];
	v7 =	vadd.s32 v26, v7;
	v13 =	vbroadcast v13, $0x0;
	v24 =	vmul.u32 $0x3E8, v22  }
0x29: {  	s1 =	rddreg [dreg:$0x2];
	s17 =	smax.u32 s5, $0x1;
	s5 =	simm.s32 $0x2;
	v22 =	vadd.s32 v26, v14;
	v14 =	vbroadcast v16, $0x0;
	v16 =	vmov s3  }
0x2a: {  	s12 =	simm.s32 $0x280;
	s15 =	simm.s32 $0x1C00;
	s2 =	simm.s32 $0x0;
	v4 =	vadd.s32 v26, v4;
	v13 =	vadd.s32 v26, v13;
	v27 =	vmul.u32 $0x3E8, v16  }
0x2b: {  	s16 =	sadd.s32 s6, s30;
	s6 =	simm.s32 $0x80;
	p1 =	sne.s32 s17, $0x1;
	v16 =	vadd.s32 v26, v14;
	v14 =	vmul.u32 $0x3E8, v28;
	v28 =	vmov s9  }
.Ltmp0:
0x2c: {  	s8 =	simm.s32 $0x1;
	[smem:$0x7FF] =	sst s2;
	v23 =	vbroadcast v23, $0x0;
	v24 =	vbroadcast v24, $0x0;
	v28 =	vmul.u32 $0x3E8, v28;
	(pc) =	sbr.rel @!p1 .LBB2_3-.Ltmp0, $4  }
0x2d: {  	s17 =	sadd.s32 $0xFFFFFFFF, s17;
	s7 =	rddreg [dreg:$0x1];
	_ =	strace $0x80000047;
	v15 =	vadd.s32 v26, v15;
	v27 =	vbroadcast v27, $0x0;
	v14 =	vbroadcast v14, $0x0  }
0x2e: {  	s10 =	simm.s32 $0x300;
	s13 =	simm.s32 $0xC00;
	s11 =	simm.s32 $0x380;
	v11 =	vadd.s32 v26, v11;
	v23 =	vadd.s32 v26, v23;
	v28 =	vbroadcast v28, $0x0  }
0x2f: {  	s14 =	simm.s32 $0x1400;
	s3 =	sadd.s32 $0x200800, s7;
	s7 =	sadd.s32 s26, s7;
	v24 =	vadd.s32 v26, v24;
	v27 =	vadd.s32 v26, v27;
	v25 =	vadd.s32 v26, v14  }
0x30: {  	s4 =	sadd.s32 $0x800, s7;
	s7 =	simm.s32 $0x400;
	s9 =	simm.s32 $0x200;
	v14 =	vadd.s32 v26, v28;
	v28 =	vadd.s32 v26, v34;
	v26 =	vadd.s32 v26, v32  }
0x31: {  	[tilespmem:s2], [sflag:$0x2] =	stream.linear.gather [hbm4b:s16+s2], $0x200, $0x38;
	[tilespmem:$0x2400] =	vst v63  }
0x32: {  	_ =	swait.ge [sflag:s5], $0x200  }
0x33: {  	[sflag:s5] =	ssyncset.done $0x0  }
0x34: {  	[sflag:s5] =	ssyncadd.s32 $0xFFFFFE00  }
0x35: {  	v32 =	vld [tilespmem:$0xC0]  }
0x36: {  	v33 =	vld [tilespmem:$0x50]  }
0x37: {  	v34 =	vld [tilespmem:$0xE0]  }
0x38: {  	v35 =	vld [tilespmem:$0x1E0]  }
0x39: {  	v36 =	vld [tilespmem:$0x100]  }
0x3a: {  	v37 =	vld [tilespmem:$0xF0]  }
0x3b: {  	v38 =	vld [tilespmem:$0x110]  }
0x3c: {  	v53 =	vld [tilespmem:$0x140];
	v32 =	vadd.s32 v32, v20  }
0x3d: {  	v39 =	vld [tilespmem:$0xD0];
	v33 =	vadd.s32 v33, v12;
	v32 =	vshrl.u32 v32, $0x4  }
0x3e: {  	v59 =	vld [tilespmem:$0x130];
	v35 =	vadd.s32 v35, v31;
	v33 =	vshrl.u32 v33, $0x4;
	[tilespmem:$0x2C0] =	vst v32  }
0x3f: {  	v43 =	vld [tilespmem:$0x190];
	v56 =	vadd.s32 v37, v19;
	v35 =	vshrl.u32 v35, $0x4;
	[tilespmem:$0x250] =	vst v33  }
0x40: {  	v38 =	vadd.s32 v38, v17;
	v58 =	vshrl.u32 v56, $0x4;
	[tilespmem:$0x3E0] =	vst v35  }
0x41: {  	v63 =	vld [tilespmem:$0x180];
	v52 =	vadd.s32 v34, v18;
	v34 =	vadd.s32 v53, v22;
	v60 =	vshrl.u32 v38, $0x4;
	[tilespmem:$0x2F0] =	vst v58  }
0x42: {  	v49 =	vld [tilespmem:$0x40];
	v42 =	vadd.s32 v39, v13;
	v62 =	vshrl.u32 v34, $0x4;
	[tilespmem:$0x310] =	vst v60  }
0x43: {  	v55 =	vadd.s32 v36, v21;
	v36 =	vadd.s32 v59, v15;
	v44 =	vshrl.u32 v42, $0x4;
	[tilespmem:$0x340] =	vst v62  }
0x44: {  	v54 =	vld [tilespmem:$0x20];
	v39 =	vadd.s32 v43, v29;
	v36 =	vshrl.u32 v36, $0x4;
	[tilespmem:$0x2D0] =	vst v44  }
0x45: {  	v61 =	vld [tilespmem:$0x160];
	v51 =	vshrl.u32 v39, $0x4;
	[tilespmem:$0x330] =	vst v36  }
0x46: {  	v46 =	vld [tilespmem:$0x1C0];
	v34 =	vadd.s32 v63, v27;
	v32 =	vshrl.u32 v52, $0x4;
	[tilespmem:$0x390] =	vst v51  }
0x47: {  	v50 =	vld [tilespmem:$0x1A0];
	v38 =	vadd.s32 v49, v9;
	v34 =	vshrl.u32 v34, $0x4;
	[tilespmem:$0x2E0] =	vst v32  }
0x48: {  	v57 =	vld [tilespmem:$0x170];
	v59 =	vshrl.u32 v38, $0x4;
	[tilespmem:$0x380] =	vst v34  }
0x49: {  	v47 =	vld [tilespmem:$0x150];
	v33 =	vadd.s32 v54, v10;
	v32 =	vshrl.u32 v55, $0x4;
	[tilespmem:$0x240] =	vst v59  }
0x4a: {  	v48 =	vld [tilespmem:$0x1D0];
	v35 =	vadd.s32 v61, v23;
	v33 =	vshrl.u32 v33, $0x4;
	[tilespmem:$0x300] =	vst v32  }
0x4b: {  	v53 =	vld [tilespmem:$0x1F0];
	v52 =	vadd.s32 v46, v30;
	v35 =	vshrl.u32 v35, $0x4;
	[tilespmem:$0x220] =	vst v33  }
0x4c: {  	v56 =	vld [tilespmem:$0x10];
	v58 =	vadd.s32 v50, v25;
	v34 =	vshrl.u32 v52, $0x4;
	[tilespmem:$0x360] =	vst v35  }
0x4d: {  	v45 =	vadd.s32 v57, v24;
	v54 =	vld [tilespmem:$0x30];
	v61 =	vshrl.u32 v58, $0x4;
	[tilespmem:$0x3C0] =	vst v34  }
0x4e: {  	v60 =	vld [tilespmem:$0x60];
	v33 =	vshrl.u32 v45, $0x4;
	v32 =	vadd.s32 v47, v16;
	[tilespmem:$0x3A0] =	vst v61  }
0x4f: {  	v62 =	vld [tilespmem:$0x80];
	[tilespmem:$0x370] =	vst v33;
	v32 =	vshrl.u32 v32, $0x4;
	v33 =	vadd.s32 v48, v28  }
0x50: {  	v50 =	vld [tilespmem:$0xB0];
	v63 =	vadd.s32 v53, v26;
	[tilespmem:$0x350] =	vst v32;
	v57 =	vshrl.u32 v33, $0x4  }
0x51: {  	v51 =	vld [tilespmem:$0x1B0];
	v44 =	vshrl.u32 v63, $0x4;
	v46 =	vadd.s32 v56, v1;
	[tilespmem:$0x3D0] =	vst v57  }
0x52: {  	v55 =	vld [tilespmem:$0x70];
	v42 =	vadd.s32 v54, v3;
	[tilespmem:$0x3F0] =	vst v44;
	v32 =	vshrl.u32 v46, $0x4  }
0x53: {  	v43 =	vld [tilespmem:$0xA0];
	v49 =	vadd.s32 v60, v5;
	v37 =	vshrl.u32 v42, $0x4;
	[tilespmem:$0x210] =	vst v32  }
0x54: {  	v45 =	vld [tilespmem:$0x0];
	v33 =	vadd.s32 v62, v2;
	v52 =	vshrl.u32 v49, $0x4;
	[tilespmem:$0x230] =	vst v37  }
0x55: {  	v48 =	vld [tilespmem:$0x90];
	v59 =	vadd.s32 v50, v4;
	v54 =	vshrl.u32 v33, $0x4;
	[tilespmem:$0x260] =	vst v52  }
0x56: {  	v53 =	vld [tilespmem:$0x120];
	v60 =	vadd.s32 v51, v14;
	v61 =	vshrl.u32 v59, $0x4;
	[tilespmem:$0x280] =	vst v54  }
0x57: {  	v35 =	vadd.s32 v55, v8;
	v34 =	vshrl.u32 v60, $0x4;
	[tilespmem:$0x2B0] =	vst v61  }
0x58: {  	v55 =	vadd.s32 v43, v7;
	v47 =	vshrl.u32 v35, $0x4;
	[tilespmem:$0x3B0] =	vst v34  }
0x59: {  	v36 =	vadd.s32 v45, v0;
	v56 =	vshrl.u32 v55, $0x4;
	[tilespmem:$0x270] =	vst v47  }
0x5a: {  	v57 =	vshrl.u32 v36, $0x4;
	v35 =	vadd.s32 v48, v6;
	[tilespmem:$0x2A0] =	vst v56  }
0x5b: {  	v62 =	vadd.s32 v53, v11;
	[tilespmem:$0x200] =	vst v57;
	v58 =	vshrl.u32 v35, $0x4  }
0x5c: {  	v63 =	vshrl.u32 v62, $0x4;
	[tilespmem:$0x290] =	vst v58  }
0x5d: {  	p1 =	sne.s32 s17, $0x1;
	[tilespmem:$0x320] =	vst v63  }
0x5e: {  	[tilespmem:s7], [sflag:$0x1] =	stream.indirect.gather [hbm4b:s3+s6], $0x10, s9, s6, $0xb8;
	[tilespmem:$0x2400] =	vst v63  }
.Ltmp1:
0x5f: {  	_ =	swait.ge [sflag:s8], $0x800;
	(pc) =	sbr.rel @!p1 .LBB2_3-.Ltmp1, $4  }
0x60: {  	[sflag:s8] =	ssyncset.done $0x0  }
0x61: {  	[sflag:s8] =	ssyncadd.s32 $0xFFFFF800  }
0x62: {  	[tilespmem:s13], [sflag:$0x1] =	stream.indirect.gather [hbm4b:s3+s6], $0x10, s12, s6, $0xb8;
	[tilespmem:$0x2400] =	vst v63  }
0x63: {  	s17 =	sadd.s32 $0xFFFFFFFF, s17;
	p0 =	por $0x1, $0x1;
	_ =	swait.ge [sflag:s8], $0x800  }
.LBB2_2:
0x64: {  	p1 =	sne.s32 s17, $0x1;
	s17 =	sadd.s32 $0xFFFFFFFF, s17;
	[sflag:s8] =	ssyncset.done $0x0  }
0x65: {  	[sflag:s8] =	ssyncadd.s32 $0xFFFFF800  }
0x66: {  	[tilespmem:s14], [sflag:$0x1] =	stream.indirect.gather [hbm4b:s3+s6], $0x10, s10, s6, $0xb8;
	[tilespmem:$0x2400] =	vst v63  }
0x67: {  	_ =	swait.ge [sflag:s8], $0x800  }
0x68: {  	[sflag:s8] =	ssyncset.done $0x0  }
0x69: {  	[sflag:s8] =	ssyncadd.s32 $0xFFFFF800  }
0x6a: {  	[tilespmem:s15], [sflag:$0x1] =	stream.indirect.gather [hbm4b:s3+s6], $0x10, s11, s6, $0xb8;
	[tilespmem:$0x2400] =	vst v63  }
0x6b: {  	_ =	swait.ge [sflag:s8], $0x800  }
0x6c: {  	[sflag:s8] =	ssyncset.done $0x0  }
0x6d: {  	[sflag:s8] =	ssyncadd.s32 $0xFFFFF800  }
0x6e: {  	[hbm4b:s4+s2] =	stream.linear.scatter [tilespmem:s7], [sflag:$0x2], $0x2000, $0x38;
	[tilespmem:$0x2400] =	vst v63  }
0x6f: {  	_ =	swait.ge [sflag:s5], $0x2000  }
0x70: {  	[sflag:s5] =	ssyncset.done $0x0  }
0x71: {  	[sflag:s5] =	ssyncadd.s32 $0xFFFFE000  }
0x72: {  	[tilespmem:s2], [sflag:$0x2] =	stream.linear.gather [hbm4b:s16+s2], $0x200, $0x38;
	[tilespmem:$0x2400] =	vst v63  }
0x73: {  	_ =	swait.ge [sflag:s5], $0x200  }
0x74: {  	[sflag:s5] =	ssyncset.done $0x0  }
0x75: {  	[sflag:s5] =	ssyncadd.s32 $0xFFFFFE00  }
0x76: {  	v32 =	vld [tilespmem:$0xD0]  }
0x77: {  	v33 =	vld [tilespmem:$0xC0]  }
0x78: {  	v34 =	vld [tilespmem:$0x50]  }
0x79: {  	v35 =	vld [tilespmem:$0xE0]  }
0x7a: {  	v36 =	vld [tilespmem:$0xF0]  }
0x7b: {  	v37 =	vld [tilespmem:$0x1E0]  }
0x7c: {  	v33 =	vadd.s32 v33, v20;
	v38 =	vld [tilespmem:$0x100]  }
0x7d: {  	v32 =	vadd.s32 v32, v13;
	v34 =	vadd.s32 v34, v12;
	v33 =	vshrl.u32 v33, $0x4;
	v39 =	vld [tilespmem:$0x110]  }
0x7e: {  	v32 =	vshrl.u32 v32, $0x4;
	v34 =	vshrl.u32 v34, $0x4;
	[tilespmem:$0x2C0] =	vst v33;
	v33 =	vadd.s32 v35, v18;
	v35 =	vld [tilespmem:$0x120]  }
0x7f: {  	[tilespmem:$0x250] =	vst v34;
	v33 =	vshrl.u32 v33, $0x4;
	v34 =	vadd.s32 v36, v19;
	v36 =	vld [tilespmem:$0x140]  }
0x80: {  	v40 =	vld [tilespmem:$0x20];
	[tilespmem:$0x2E0] =	vst v33;
	v33 =	vshrl.u32 v34, $0x4;
	v34 =	vadd.s32 v37, v31  }
0x81: {  	v37 =	vadd.s32 v38, v21;
	v38 =	vld [tilespmem:$0x130];
	v34 =	vshrl.u32 v34, $0x4  }
0x82: {  	v37 =	vshrl.u32 v37, $0x4;
	v39 =	vadd.s32 v39, v17;
	v41 =	vld [tilespmem:$0x170];
	[tilespmem:$0x3E0] =	vst v34  }
0x83: {  	[tilespmem:$0x300] =	vst v37;
	v34 =	vshrl.u32 v39, $0x4;
	v35 =	vadd.s32 v35, v11;
	v37 =	vld [tilespmem:$0x190]  }
0x84: {  	[tilespmem:$0x2F0] =	vst v33;
	v33 =	vshrl.u32 v35, $0x4;
	v35 =	vadd.s32 v36, v22;
	v36 =	vld [tilespmem:$0x160]  }
0x85: {  	v39 =	vadd.s32 v40, v10;
	[tilespmem:$0x310] =	vst v34;
	v34 =	vshrl.u32 v35, $0x4;
	v35 =	vld [tilespmem:$0x180]  }
0x86: {  	v39 =	vshrl.u32 v39, $0x4;
	v38 =	vadd.s32 v38, v15;
	[tilespmem:$0x340] =	vst v34;
	v34 =	vld [tilespmem:$0x1A0]  }
0x87: {  	[tilespmem:$0x220] =	vst v39;
	v38 =	vshrl.u32 v38, $0x4;
	v39 =	vadd.s32 v41, v24;
	v40 =	vld [tilespmem:$0x1C0]  }
0x88: {  	[tilespmem:$0x2D0] =	vst v32;
	v32 =	vld [tilespmem:$0x150];
	v39 =	vshrl.u32 v39, $0x4;
	v37 =	vadd.s32 v37, v29  }
0x89: {  	v36 =	vadd.s32 v36, v23;
	[tilespmem:$0x370] =	vst v39;
	v37 =	vshrl.u32 v37, $0x4;
	v39 =	vld [tilespmem:$0x1D0]  }
0x8a: {  	v41 =	vld [tilespmem:$0x40];
	[tilespmem:$0x330] =	vst v38;
	v36 =	vshrl.u32 v36, $0x4;
	v35 =	vadd.s32 v35, v27  }
0x8b: {  	[tilespmem:$0x360] =	vst v36;
	v35 =	vshrl.u32 v35, $0x4;
	v34 =	vadd.s32 v34, v25;
	v36 =	vld [tilespmem:$0x1B0]  }
0x8c: {  	[tilespmem:$0x380] =	vst v35;
	v34 =	vshrl.u32 v34, $0x4;
	v35 =	vadd.s32 v40, v30;
	v38 =	vld [tilespmem:$0x1F0]  }
0x8d: {  	v40 =	vld [tilespmem:$0x30];
	v32 =	vadd.s32 v32, v16;
	[tilespmem:$0x390] =	vst v37;
	v35 =	vshrl.u32 v35, $0x4  }
0x8e: {  	v37 =	vld [tilespmem:$0x70];
	v32 =	vshrl.u32 v32, $0x4;
	[tilespmem:$0x3C0] =	vst v35;
	v35 =	vadd.s32 v39, v28  }
0x8f: {  	v39 =	vld [tilespmem:$0x10];
	v41 =	vadd.s32 v41, v9;
	[tilespmem:$0x350] =	vst v32;
	v32 =	vshrl.u32 v35, $0x4  }
0x90: {  	v35 =	vshrl.u32 v41, $0x4;
	v41 =	vld [tilespmem:$0x60];
	v36 =	vadd.s32 v36, v14;
	[tilespmem:$0x3D0] =	vst v32  }
0x91: {  	[tilespmem:$0x240] =	vst v35;
	v32 =	vld [tilespmem:$0x80];
	v35 =	vshrl.u32 v36, $0x4;
	v36 =	vadd.s32 v38, v26  }
0x92: {  	v38 =	vadd.s32 v40, v3;
	v40 =	vld [tilespmem:$0xA0];
	[tilespmem:$0x3A0] =	vst v34;
	v34 =	vshrl.u32 v36, $0x4  }
0x93: {  	v36 =	vld [tilespmem:$0x0];
	v38 =	vshrl.u32 v38, $0x4;
	v37 =	vadd.s32 v37, v8;
	[tilespmem:$0x3F0] =	vst v34  }
0x94: {  	v34 =	vadd.s32 v39, v1;
	[tilespmem:$0x230] =	vst v38;
	v37 =	vshrl.u32 v37, $0x4;
	v38 =	vld [tilespmem:$0x90]  }
0x95: {  	v34 =	vshrl.u32 v34, $0x4;
	v39 =	vadd.s32 v41, v5;
	[tilespmem:$0x270] =	vst v37;
	v37 =	vld [tilespmem:$0xB0]  }
0x96: {  	[tilespmem:$0x210] =	vst v34;
	v34 =	vshrl.u32 v39, $0x4;
	v32 =	vadd.s32 v32, v2  }
0x97: {  	[tilespmem:$0x260] =	vst v34;
	v32 =	vshrl.u32 v32, $0x4;
	v34 =	vadd.s32 v40, v7  }
0x98: {  	v36 =	vadd.s32 v36, v0;
	[tilespmem:$0x280] =	vst v32;
	v32 =	vshrl.u32 v34, $0x4  }
0x99: {  	v34 =	vshrl.u32 v36, $0x4;
	v36 =	vadd.s32 v38, v6;
	[tilespmem:$0x2A0] =	vst v32  }
0x9a: {  	[tilespmem:$0x200] =	vst v34;
	v32 =	vshrl.u32 v36, $0x4;
	v34 =	vadd.s32 v37, v4  }
0x9b: {  	[tilespmem:$0x290] =	vst v32;
	v32 =	vshrl.u32 v34, $0x4  }
0x9c: {  	[tilespmem:$0x2B0] =	vst v32  }
0x9d: {  	[tilespmem:$0x3B0] =	vst v35  }
0x9e: {  	[tilespmem:$0x320] =	vst v33  }
0x9f: {  	[tilespmem:s7], [sflag:$0x1] =	stream.indirect.gather [hbm4b:s3+s6], $0x10, s9, s6, $0xb8;
	[tilespmem:$0x2400] =	vst v63  }
.Ltmp2:
0xa0: {  	_ =	swait.ge [sflag:s8], $0x800;
	(pc) =	sbr.rel @p1 .LBB2_2-.Ltmp2, $4  }
0xa1: {  	[sflag:s8] =	ssyncset.done $0x0  }
0xa2: {  	[sflag:s8] =	ssyncadd.s32 $0xFFFFF800  }
0xa3: {  	[tilespmem:s13], [sflag:$0x1] =	stream.indirect.gather [hbm4b:s3+s6], $0x10, s12, s6, $0xb8;
	[tilespmem:$0x2400] =	vst v63  }
0xa4: {  	_ =	swait.ge [sflag:s8], $0x800  }
.LBB2_3:
0xa5: {  	[sflag:s8] =	ssyncset.done @p0 $0x0  }
0xa6: {  	[sflag:s8] =	ssyncadd.s32 @p0 $0xFFFFF800  }
0xa7: {  	[tilespmem:s14], [sflag:$0x1] =	stream.indirect.gather @p0 [hbm4b:s3+s6], $0x10, s10, s6, $0xb8;
	[tilespmem:$0x2400] =	vst v63  }
0xa8: {  	_ =	swait.ge @p0 [sflag:s8], $0x800  }
0xa9: {  	[sflag:s8] =	ssyncset.done @p0 $0x0  }
0xaa: {  	[sflag:s8] =	ssyncadd.s32 @p0 $0xFFFFF800  }
0xab: {  	[tilespmem:s15], [sflag:$0x1] =	stream.indirect.gather @p0 [hbm4b:s3+s6], $0x10, s11, s6, $0xb8;
	[tilespmem:$0x2400] =	vst v63  }
0xac: {  	_ =	swait.ge @p0 [sflag:s8], $0x800  }
0xad: {  	[sflag:s8] =	ssyncset.done @p0 $0x0  }
0xae: {  	[sflag:s8] =	ssyncadd.s32 @p0 $0xFFFFF800  }
0xaf: {  	[hbm4b:s4+s2] =	stream.linear.scatter @p0 [tilespmem:s7], [sflag:$0x2], $0x2000, $0x38;
	[tilespmem:$0x2400] =	vst v63  }
0xb0: {  	_ =	swait.ge @p0 [sflag:s5], $0x2000  }
0xb1: {  	[sflag:s5] =	ssyncset.done @p0 $0x0  }
0xb2: {  	[sflag:s5] =	ssyncadd.s32 @p0 $0xFFFFE000  }
0xb3: {  	[tilespmem:s2], [sflag:$0x2] =	stream.linear.gather [hbm4b:s16+s2], $0x200, $0x38;
	[tilespmem:$0x2400] =	vst v63  }
0xb4: {  	_ =	swait.ge [sflag:s5], $0x200  }
0xb5: {  	[sflag:s5] =	ssyncset.done $0x0  }
0xb6: {  	[sflag:s5] =	ssyncadd.s32 $0xFFFFFE00  }
0xb7: {  	v32 =	vld [tilespmem:$0xC0]  }
0xb8: {  	v33 =	vld [tilespmem:$0x50]  }
0xb9: {  	v34 =	vld [tilespmem:$0xE0]  }
0xba: {  	v35 =	vld [tilespmem:$0x1E0]  }
0xbb: {  	v36 =	vld [tilespmem:$0x100]  }
0xbc: {  	v37 =	vld [tilespmem:$0xF0]  }
0xbd: {  	v45 =	vld [tilespmem:$0x110];
	v20 =	vadd.s32 v32, v20  }
0xbe: {  	v46 =	vld [tilespmem:$0x140];
	v12 =	vadd.s32 v33, v12;
	v20 =	vshrl.u32 v20, $0x4  }
0xbf: {  	v48 =	vld [tilespmem:$0x20];
	v18 =	vadd.s32 v34, v18;
	v12 =	vshrl.u32 v12, $0x4;
	[tilespmem:$0x2C0] =	vst v20  }
0xc0: {  	v49 =	vld [tilespmem:$0xD0];
	v31 =	vadd.s32 v35, v31;
	v47 =	vshrl.u32 v18, $0x4;
	[tilespmem:$0x250] =	vst v12  }
0xc1: {  	v53 =	vld [tilespmem:$0x130];
	v19 =	vadd.s32 v37, v19;
	v51 =	vshrl.u32 v31, $0x4;
	[tilespmem:$0x2E0] =	vst v47  }
0xc2: {  	v38 =	vld [tilespmem:$0x70];
	v17 =	vadd.s32 v45, v17;
	v19 =	vshrl.u32 v19, $0x4;
	[tilespmem:$0x3E0] =	vst v51  }
0xc3: {  	v39 =	vld [tilespmem:$0x10];
	v55 =	vadd.s32 v46, v22;
	v54 =	vshrl.u32 v17, $0x4;
	[tilespmem:$0x2F0] =	vst v19  }
0xc4: {  	v41 =	vld [tilespmem:$0x60];
	v10 =	vadd.s32 v48, v10;
	v57 =	vshrl.u32 v55, $0x4;
	[tilespmem:$0x310] =	vst v54  }
0xc5: {  	v52 =	vld [tilespmem:$0x170];
	v13 =	vadd.s32 v49, v13;
	v10 =	vshrl.u32 v10, $0x4;
	[tilespmem:$0x340] =	vst v57  }
0xc6: {  	v15 =	vadd.s32 v53, v15;
	v60 =	vshrl.u32 v13, $0x4;
	[tilespmem:$0x220] =	vst v10  }
0xc7: {  	v58 =	vld [tilespmem:$0x180];
	v8 =	vadd.s32 v38, v8;
	v15 =	vshrl.u32 v15, $0x4;
	[tilespmem:$0x2D0] =	vst v60  }
0xc8: {  	v59 =	vld [tilespmem:$0x190];
	v1 =	vadd.s32 v39, v1;
	v48 =	vshrl.u32 v8, $0x4;
	[tilespmem:$0x330] =	vst v15  }
0xc9: {  	v62 =	vld [tilespmem:$0x1C0];
	v5 =	vadd.s32 v41, v5;
	v1 =	vshrl.u32 v1, $0x4;
	[tilespmem:$0x270] =	vst v48  }
0xca: {  	v43 =	vld [tilespmem:$0x80];
	v50 =	vadd.s32 v36, v21;
	v61 =	vadd.s32 v52, v24;
	v52 =	vshrl.u32 v5, $0x4;
	[tilespmem:$0x210] =	vst v1  }
0xcb: {  	v56 =	vld [tilespmem:$0x160];
	v12 =	vshrl.u32 v50, $0x4;
	[tilespmem:$0x260] =	vst v52  }
0xcc: {  	v63 =	vld [tilespmem:$0x150];
	v17 =	vadd.s32 v58, v27;
	v10 =	vshrl.u32 v61, $0x4;
	[tilespmem:$0x300] =	vst v12  }
0xcd: {  	v24 =	vld [tilespmem:$0x1D0];
	v18 =	vadd.s32 v59, v29;
	v34 =	vshrl.u32 v17, $0x4;
	[tilespmem:$0x370] =	vst v10  }
0xce: {  	v33 =	vld [tilespmem:$0x1A0];
	v13 =	vadd.s32 v62, v30;
	v35 =	vshrl.u32 v18, $0x4;
	[tilespmem:$0x380] =	vst v34  }
0xcf: {  	v36 =	vld [tilespmem:$0x1F0];
	v2 =	vadd.s32 v43, v2;
	v13 =	vshrl.u32 v13, $0x4;
	[tilespmem:$0x390] =	vst v35  }
0xd0: {  	v37 =	vld [tilespmem:$0x30];
	v19 =	vadd.s32 v56, v23;
	v54 =	vshrl.u32 v2, $0x4;
	[tilespmem:$0x3C0] =	vst v13  }
0xd1: {  	v45 =	vld [tilespmem:$0xA0];
	v32 =	vshrl.u32 v19, $0x4;
	v12 =	vadd.s32 v63, v16;
	[tilespmem:$0x280] =	vst v54  }
0xd2: {  	v49 =	vld [tilespmem:$0x90];
	[tilespmem:$0x360] =	vst v32;
	v12 =	vshrl.u32 v12, $0x4;
	v10 =	vadd.s32 v24, v28  }
0xd3: {  	v53 =	vld [tilespmem:$0x120];
	[tilespmem:$0x350] =	vst v12;
	v40 =	vadd.s32 v33, v25;
	v10 =	vshrl.u32 v10, $0x4  }
0xd4: {  	v31 =	vld [tilespmem:$0x40];
	v44 =	vadd.s32 v36, v26;
	v42 =	vshrl.u32 v40, $0x4;
	[tilespmem:$0x3D0] =	vst v10  }
0xd5: {  	v47 =	vld [tilespmem:$0x0];
	v3 =	vadd.s32 v37, v3;
	v46 =	vshrl.u32 v44, $0x4;
	[tilespmem:$0x3A0] =	vst v42  }
0xd6: {  	v50 =	vld [tilespmem:$0xB0];
	v55 =	vadd.s32 v45, v7;
	v3 =	vshrl.u32 v3, $0x4;
	[tilespmem:$0x3F0] =	vst v46  }
0xd7: {  	v51 =	vld [tilespmem:$0x1B0];
	v57 =	vadd.s32 v49, v6;
	v56 =	vshrl.u32 v55, $0x4;
	[tilespmem:$0x230] =	vst v3  }
0xd8: {  	v62 =	vadd.s32 v53, v11;
	v58 =	vshrl.u32 v57, $0x4;
	[tilespmem:$0x2A0] =	vst v56  }
0xd9: {  	v9 =	vadd.s32 v31, v9;
	v63 =	vshrl.u32 v62, $0x4;
	[tilespmem:$0x290] =	vst v58  }
0xda: {  	v9 =	vshrl.u32 v9, $0x4;
	v0 =	vadd.s32 v47, v0;
	[tilespmem:$0x320] =	vst v63  }
0xdb: {  	v59 =	vadd.s32 v50, v4;
	[tilespmem:$0x240] =	vst v9;
	v0 =	vshrl.u32 v0, $0x4  }
0xdc: {  	v60 =	vadd.s32 v51, v14;
	v61 =	vshrl.u32 v59, $0x4;
	[tilespmem:$0x200] =	vst v0  }
0xdd: {  	v2 =	vshrl.u32 v60, $0x4;
	[tilespmem:$0x2B0] =	vst v61  }
0xde: {  	[tilespmem:$0x3B0] =	vst v2  }
0xdf: {  	[tilespmem:s7], [sflag:$0x1] =	stream.indirect.gather [hbm4b:s3+s6], $0x10, s9, s6, $0xb8;
	[tilespmem:$0x2400] =	vst v63  }
0xe0: {  	_ =	swait.ge [sflag:s8], $0x800  }
0xe1: {  	[sflag:s8] =	ssyncset.done $0x0  }
0xe2: {  	[sflag:s8] =	ssyncadd.s32 $0xFFFFF800  }
0xe3: {  	[tilespmem:s13], [sflag:$0x1] =	stream.indirect.gather [hbm4b:s3+s6], $0x10, s12, s6, $0xb8;
	[tilespmem:$0x2400] =	vst v63  }
0xe4: {  	_ =	swait.ge [sflag:s8], $0x800  }
0xe5: {  	[sflag:s8] =	ssyncset.done $0x0  }
0xe6: {  	[sflag:s8] =	ssyncadd.s32 $0xFFFFF800  }
0xe7: {  	[tilespmem:s14], [sflag:$0x1] =	stream.indirect.gather [hbm4b:s3+s6], $0x10, s10, s6, $0xb8;
	[tilespmem:$0x2400] =	vst v63  }
0xe8: {  	_ =	swait.ge [sflag:s8], $0x800  }
0xe9: {  	[sflag:s8] =	ssyncset.done $0x0  }
0xea: {  	[sflag:s8] =	ssyncadd.s32 $0xFFFFF800  }
0xeb: {  	[tilespmem:s15], [sflag:$0x1] =	stream.indirect.gather [hbm4b:s3+s6], $0x10, s11, s6, $0xb8;
	[tilespmem:$0x2400] =	vst v63  }
0xec: {  	_ =	swait.ge [sflag:s8], $0x800  }
0xed: {  	[sflag:s8] =	ssyncset.done $0x0  }
0xee: {  	[sflag:s8] =	ssyncadd.s32 $0xFFFFF800  }
0xef: {  	[hbm4b:s4+s2] =	stream.linear.scatter [tilespmem:s7], [sflag:$0x2], $0x2000, $0x38;
	[tilespmem:$0x2400] =	vst v63  }
0xf0: {  	_ =	swait.ge [sflag:s5], $0x2000  }
0xf1: {  	[sflag:s5] =	ssyncset.done $0x0  }
0xf2: {  	[sflag:s5] =	ssyncadd.s32 $0xFFFFE000  }
0xf3: {  	_ =	sfence.sel $0x180000  }
0xf4: {  	[bflag:$0x0] =	sbarrier.arrive $0xFFFF  }
0xf5: {  	p0 =	sne.s32 s0, $0x0;
	_ =	strace $0x90000047  }
0xf6: {  	s0 =	sadd.s32 @!p0 $0x100000, s1;
	[bflag:$0x2] =	sbarrier.arrive $0xFFFF  }
0xf7: {  	[sflag:s0] =	ssyncadd.tile.s32 @!p0 $0x1;
	_ =	shalt  }
.Lfunc_end2:
_tile_overlayer_lowered:
.L_overlay_start_2:
0xf8: {  	(tag) =	ssettag $0x2  }
0xf9: {  	s0 =	rddreg [dreg:$0x0];
	s2 =	stileid.u32  }
0xfa: {  	s1 =	rddreg [dreg:$0x1];
	p0 =	sne.s32 s2, $0x0  }
0xfb: {  	s3 =	rddreg [dreg:$0x2];
	[bflag:$0x3] =	sbarrier.arrive $0xFFFF;
	s2 =	simm.s32 @!p0 $0x1C02  }
0xfc: {  	[timem:s3], [sflag:s2] =	dma.local @!p0 [hbm:s0], s1  }
0xfd: {  	s0 =	simm.s32 @!p0 $0x2  }
0xfe: {  	_ =	swait.ge @!p0 [sflag:s0], s1  }
0xff: {  	s1 =	ssub.s32 @!p0 $0x0, s1;
	[sflag:s0] =	ssyncset.done @!p0 $0x0  }
0x100: {  	[sflag:s0] =	ssyncadd.s32 @!p0 s1  }
0x101: {  	[bflag:$0x3] =	sbarrier.arrive $0xFFFF  }
0x102: {  	_ =	shalt  }

</sc_bundles>
